<compile_context>
chip_gen: v7x
topology: tpu7x:2x2x1
jax: 0.10.2.dev20260603
libtpu: 0.0.44.dev20260713+nightly
codegen_flags: <defaults>
</compile_context>

<pallas_src>
import functools

import jax
import jax.numpy as jnp
from jax import lax
from jax.experimental import pallas as pl
from jax.experimental.pallas import tpu as pltpu
from jax.experimental.pallas import tpu_sc as plsc

_CB = 16


def _values_body(x_ref, val_ref):
    cb = pl.program_id(1)
    h = val_ref.shape[2]
    w = val_ref.shape[3]
    val_ref[...] = jnp.zeros(val_ref.shape, jnp.float32)

    @pl.when(cb == 0)
    def _():
        row = jax.lax.broadcasted_iota(jnp.int32, (h, w), 0)
        col = jax.lax.broadcasted_iota(jnp.int32, (h, w), 1)
        val_ref[0, 0] = jnp.where(row == col, x_ref[0, 0], 0.0)


def kernel(data_batch):
    B, C, H, W = data_batch.shape
    D = min(H, W)
    NC, NS = 1, 16
    NW = NC * NS
    RPW = (B * D) // NW

    values = pl.pallas_call(
        _values_body,
        grid=(B, C // _CB),
        in_specs=[pl.BlockSpec((1, 1, H, W), lambda b, c: (b, 0, 0, 0))],
        out_specs=pl.BlockSpec((1, _CB, H, W), lambda b, c: (b, c, 0, 0)),
        out_shape=jax.ShapeDtypeStruct((B, C, H, W), jnp.float32),
        compiler_params=pltpu.CompilerParams(
            dimension_semantics=("arbitrary", "arbitrary"),
        ),
    )(data_batch)

    mesh = plsc.VectorSubcoreMesh(
        core_axis_name="c", subcore_axis_name="s", num_cores=NC)

    @functools.partial(
        pl.kernel,
        mesh=mesh,
        out_type=jax.ShapeDtypeStruct((B * D * 4,), jnp.int32),
        scratch_types=[pltpu.VMEM((RPW * 4,), jnp.int32)],
    )
    def sc_indices(ind_hbm, indb):
        wid = lax.axis_index("s") * NC + lax.axis_index("c")
        lane = lax.broadcasted_iota(jnp.int32, (16,), 0)
        wpb_shift = (NW // B).bit_length() - 1
        bvec = lax.broadcast_in_dim(wid >> wpb_shift, (16,), ())
        ivec = lax.broadcast_in_dim((wid & (NW // B - 1)) * RPW, (16,), ())
        zero16 = jnp.zeros((16,), jnp.int32)
        for t in range(RPW * 4 // 16):
            e = t * 16 + lane
            k = e >> 2
            col = e & 3
            v = jnp.where(col == 0, bvec, jnp.where(col == 1, zero16, ivec + k))
            indb[pl.ds(t * 16, 16)] = v
        pltpu.sync_copy(indb, ind_hbm.at[pl.ds(wid * RPW * 4, RPW * 4)])

    indices = sc_indices().reshape(B * D, 4)

    return (values, indices)

# --- scband reference (transcript-rebuilt; emitter-appended) ---
"""Pipeline reference for scband-darcy-pressure-diagonal-70772471104010 (READ-ONLY COPY).

The authoritative reference and input builder live on the scoring server;
editing this copy changes nothing except your own understanding.
"""

import jax, jax.numpy as jnp
import numpy as np


def setup_inputs(seed: int = 0) -> dict:
    key = jax.random.key(seed)
    data_batch = jax.random.normal(key, (8, 96, 384, 384), dtype=jnp.float32)
    return {"data_batch": data_batch}


def reference(data_batch):
    assert data_batch.ndim == 4
    batch_size = data_batch.shape[0]
    channels = data_batch.shape[1]
    dim0 = data_batch.shape[2]
    dim1 = data_batch.shape[3]
    dim_small = int(np.minimum(dim0, dim1))
    batch_inds = jnp.repeat(jnp.arange(batch_size, dtype=jnp.int64), dim_small)
    channel_inds = jnp.zeros((dim_small * batch_size,), dtype=jnp.int64)
    dim0_inds = jnp.tile(jnp.arange(dim_small, dtype=jnp.int64), batch_size)
    dim1_inds = jnp.tile(jnp.arange(dim_small, dtype=jnp.int64), batch_size)
    indices = jnp.stack([batch_inds, channel_inds, dim0_inds, dim1_inds], axis=1)
    gathered = data_batch[batch_inds, channel_inds, dim0_inds, dim1_inds]
    values = jnp.zeros_like(data_batch).at[batch_inds, channel_inds, dim0_inds, dim1_inds].set(gathered)
    return (values, indices)

if __name__ == "__main__":
    import jax
    _d = setup_inputs()
    print(jax.jit(kernel)(*tuple(_d.values())))

</pallas_src>

<mosaic_0001>
#map = affine_map<(d0, d1) -> (0)>
module attributes {stable_mosaic.version = 14 : i64} {
  func.func @sc_indices(%arg0: i32, %arg1: i32, %arg2: memref<12288xi32, #tpu.memory_space<hbm>>, %arg3: memref<768xi32, #tpu.memory_space<vmem>>) attributes {dimension_semantics = [#tpu.dimension_semantics<core_parallel>, #tpu.dimension_semantics<subcore_parallel>], iteration_bounds = array<i64: 1, 16>, scalar_prefetch = 0 : i64, scratch_operands = 1 : i64, tpu.core_type = #tpu.core_type<sc_vector_subcore>, window_params = [{transform_indices = #map}]} {
    %mul3A = arith.constant 1 : i32
    %mul3A_0 = arith.muli %arg1, %mul3A : i32
    %add3A = arith.addi %mul3A_0, %arg0 : i32
    %iota3A = tpu.iota {dimensions = array<i32: 0>} : vector<16xi32>
    %shift_right_arithmetic3A = arith.constant 1 : i32
    %shift_right_arithmetic3A_1 = arith.shrsi %add3A, %shift_right_arithmetic3A : i32
    %broadcast_in_dim3A = vector.broadcast %shift_right_arithmetic3A_1 : i32 to vector<16xi32>
    %and3A = arith.constant 1 : i32
    %and3A_2 = arith.andi %add3A, %and3A : i32
    %mul3A_3 = arith.constant 192 : i32
    %mul3A_4 = arith.muli %and3A_2, %mul3A_3 : i32
    %broadcast_in_dim3A_5 = vector.broadcast %mul3A_4 : i32 to vector<16xi32>
    %broadcast_in_dim3A_6 = arith.constant 0 : i32
    %broadcast_in_dim3A_7 = vector.broadcast %broadcast_in_dim3A_6 : i32 to vector<16xi32>
    %add3A_8 = arith.constant 0 : i32
    %add3A_9 = vector.broadcast %add3A_8 : i32 to vector<16xi32>
    %add3A_10 = arith.addi %add3A_9, %iota3A : vector<16xi32>
    %shift_right_arithmetic3A_11 = arith.constant 2 : i32
    %shift_right_arithmetic3A_12 = vector.broadcast %shift_right_arithmetic3A_11 : i32 to vector<16xi32>
    %shift_right_arithmetic3A_13 = arith.shrsi %add3A_10, %shift_right_arithmetic3A_12 : vector<16xi32>
    %and3A_14 = arith.constant 3 : i32
    %and3A_15 = vector.broadcast %and3A_14 : i32 to vector<16xi32>
    %and3A_16 = arith.andi %add3A_10, %and3A_15 : vector<16xi32>
    %eq3A = arith.constant 0 : i32
    %eq3A_17 = vector.broadcast %eq3A : i32 to vector<16xi32>
    %eq3A_18 = arith.cmpi eq, %and3A_16, %eq3A_17 : vector<16xi32>
    %eq3A_19 = arith.constant 1 : i32
    %eq3A_20 = vector.broadcast %eq3A_19 : i32 to vector<16xi32>
    %eq3A_21 = arith.cmpi eq, %and3A_16, %eq3A_20 : vector<16xi32>
    %add3A_22 = arith.addi %broadcast_in_dim3A_5, %shift_right_arithmetic3A_13 : vector<16xi32>
    %select_n3A = arith.select %eq3A_21, %broadcast_in_dim3A_7, %add3A_22 : vector<16xi1>, vector<16xi32>
    %select_n3A_23 = arith.select %eq3A_18, %broadcast_in_dim3A, %select_n3A : vector<16xi1>, vector<16xi32>
    %swap3A = arith.constant 0 : index
    %swap3A_24 = tpu.vector_load %arg3[%swap3A] {strides = array<i32>} : memref<768xi32, #tpu.memory_space<vmem>>, vector<16xi32>,
    %swap3A_25 = vector.shape_cast %swap3A_24 : vector<16xi32> to vector<16xi32>
    %swap3A_26 = vector.shape_cast %select_n3A_23 : vector<16xi32> to vector<16xi32>
    tpu.vector_store %arg3[%swap3A], %swap3A_26 {strides = array<i32>} : memref<768xi32, #tpu.memory_space<vmem>>, vector<16xi32>,
    %add3A_27 = arith.constant 16 : i32
    %add3A_28 = vector.broadcast %add3A_27 : i32 to vector<16xi32>
    %add3A_29 = arith.addi %add3A_28, %iota3A : vector<16xi32>
    %shift_right_arithmetic3A_30 = arith.constant 2 : i32
    %shift_right_arithmetic3A_31 = vector.broadcast %shift_right_arithmetic3A_30 : i32 to vector<16xi32>
    %shift_right_arithmetic3A_32 = arith.shrsi %add3A_29, %shift_right_arithmetic3A_31 : vector<16xi32>
    %and3A_33 = arith.constant 3 : i32
    %and3A_34 = vector.broadcast %and3A_33 : i32 to vector<16xi32>
    %and3A_35 = arith.andi %add3A_29, %and3A_34 : vector<16xi32>
    %eq3A_36 = arith.constant 0 : i32
    %eq3A_37 = vector.broadcast %eq3A_36 : i32 to vector<16xi32>
    %eq3A_38 = arith.cmpi eq, %and3A_35, %eq3A_37 : vector<16xi32>
    %eq3A_39 = arith.constant 1 : i32
    %eq3A_40 = vector.broadcast %eq3A_39 : i32 to vector<16xi32>
    %eq3A_41 = arith.cmpi eq, %and3A_35, %eq3A_40 : vector<16xi32>
    %add3A_42 = arith.addi %broadcast_in_dim3A_5, %shift_right_arithmetic3A_32 : vector<16xi32>
    %select_n3A_43 = arith.select %eq3A_41, %broadcast_in_dim3A_7, %add3A_42 : vector<16xi1>, vector<16xi32>
    %select_n3A_44 = arith.select %eq3A_38, %broadcast_in_dim3A, %select_n3A_43 : vector<16xi1>, vector<16xi32>
    %swap3A_45 = arith.constant 16 : index
    %swap3A_46 = tpu.vector_load %arg3[%swap3A_45] {strides = array<i32>} : memref<768xi32, #tpu.memory_space<vmem>>, vector<16xi32>,
    %swap3A_47 = vector.shape_cast %swap3A_46 : vector<16xi32> to vector<16xi32>
    %swap3A_48 = vector.shape_cast %select_n3A_44 : vector<16xi32> to vector<16xi32>
    tpu.vector_store %arg3[%swap3A_45], %swap3A_48 {strides = array<i32>} : memref<768xi32, #tpu.memory_space<vmem>>, vector<16xi32>,
    %add3A_49 = arith.constant 32 : i32
    %add3A_50 = vector.broadcast %add3A_49 : i32 to vector<16xi32>
    %add3A_51 = arith.addi %add3A_50, %iota3A : vector<16xi32>
    %shift_right_arithmetic3A_52 = arith.constant 2 : i32
    %shift_right_arithmetic3A_53 = vector.broadcast %shift_right_arithmetic3A_52 : i32 to vector<16xi32>
    %shift_right_arithmetic3A_54 = arith.shrsi %add3A_51, %shift_right_arithmetic3A_53 : vector<16xi32>
    %and3A_55 = arith.constant 3 : i32
    %and3A_56 = vector.broadcast %and3A_55 : i32 to vector<16xi32>
    %and3A_57 = arith.andi %add3A_51, %and3A_56 : vector<16xi32>
    %eq3A_58 = arith.constant 0 : i32
    %eq3A_59 = vector.broadcast %eq3A_58 : i32 to vector<16xi32>
    %eq3A_60 = arith.cmpi eq, %and3A_57, %eq3A_59 : vector<16xi32>
    %eq3A_61 = arith.constant 1 : i32
    %eq3A_62 = vector.broadcast %eq3A_61 : i32 to vector<16xi32>
    %eq3A_63 = arith.cmpi eq, %and3A_57, %eq3A_62 : vector<16xi32>
    %add3A_64 = arith.addi %broadcast_in_dim3A_5, %shift_right_arithmetic3A_54 : vector<16xi32>
    %select_n3A_65 = arith.select %eq3A_63, %broadcast_in_dim3A_7, %add3A_64 : vector<16xi1>, vector<16xi32>
    %select_n3A_66 = arith.select %eq3A_60, %broadcast_in_dim3A, %select_n3A_65 : vector<16xi1>, vector<16xi32>
    %swap3A_67 = arith.constant 32 : index
    %swap3A_68 = tpu.vector_load %arg3[%swap3A_67] {strides = array<i32>} : memref<768xi32, #tpu.memory_space<vmem>>, vector<16xi32>,
    %swap3A_69 = vector.shape_cast %swap3A_68 : vector<16xi32> to vector<16xi32>
    %swap3A_70 = vector.shape_cast %select_n3A_66 : vector<16xi32> to vector<16xi32>
    tpu.vector_store %arg3[%swap3A_67], %swap3A_70 {strides = array<i32>} : memref<768xi32, #tpu.memory_space<vmem>>, vector<16xi32>,
    %add3A_71 = arith.constant 48 : i32
    %add3A_72 = vector.broadcast %add3A_71 : i32 to vector<16xi32>
    %add3A_73 = arith.addi %add3A_72, %iota3A : vector<16xi32>
    %shift_right_arithmetic3A_74 = arith.constant 2 : i32
    %shift_right_arithmetic3A_75 = vector.broadcast %shift_right_arithmetic3A_74 : i32 to vector<16xi32>
    %shift_right_arithmetic3A_76 = arith.shrsi %add3A_73, %shift_right_arithmetic3A_75 : vector<16xi32>
    %and3A_77 = arith.constant 3 : i32
    %and3A_78 = vector.broadcast %and3A_77 : i32 to vector<16xi32>
    %and3A_79 = arith.andi %add3A_73, %and3A_78 : vector<16xi32>
    %eq3A_80 = arith.constant 0 : i32
    %eq3A_81 = vector.broadcast %eq3A_80 : i32 to vector<16xi32>
    %eq3A_82 = arith.cmpi eq, %and3A_79, %eq3A_81 : vector<16xi32>
    %eq3A_83 = arith.constant 1 : i32
    %eq3A_84 = vector.broadcast %eq3A_83 : i32 to vector<16xi32>
    %eq3A_85 = arith.cmpi eq, %and3A_79, %eq3A_84 : vector<16xi32>
    %add3A_86 = arith.addi %broadcast_in_dim3A_5, %shift_right_arithmetic3A_76 : vector<16xi32>
    %select_n3A_87 = arith.select %eq3A_85, %broadcast_in_dim3A_7, %add3A_86 : vector<16xi1>, vector<16xi32>
    %select_n3A_88 = arith.select %eq3A_82, %broadcast_in_dim3A, %select_n3A_87 : vector<16xi1>, vector<16xi32>
    %swap3A_89 = arith.constant 48 : index
    %swap3A_90 = tpu.vector_load %arg3[%swap3A_89] {strides = array<i32>} : memref<768xi32, #tpu.memory_space<vmem>>, vector<16xi32>,
    %swap3A_91 = vector.shape_cast %swap3A_90 : vector<16xi32> to vector<16xi32>
    %swap3A_92 = vector.shape_cast %select_n3A_88 : vector<16xi32> to vector<16xi32>
    tpu.vector_store %arg3[%swap3A_89], %swap3A_92 {strides = array<i32>} : memref<768xi32, #tpu.memory_space<vmem>>, vector<16xi32>,
    %add3A_93 = arith.constant 64 : i32
    %add3A_94 = vector.broadcast %add3A_93 : i32 to vector<16xi32>
    %add3A_95 = arith.addi %add3A_94, %iota3A : vector<16xi32>
    %shift_right_arithmetic3A_96 = arith.constant 2 : i32
    %shift_right_arithmetic3A_97 = vector.broadcast %shift_right_arithmetic3A_96 : i32 to vector<16xi32>
    %shift_right_arithmetic3A_98 = arith.shrsi %add3A_95, %shift_right_arithmetic3A_97 : vector<16xi32>
    %and3A_99 = arith.constant 3 : i32
    %and3A_100 = vector.broadcast %and3A_99 : i32 to vector<16xi32>
    %and3A_101 = arith.andi %add3A_95, %and3A_100 : vector<16xi32>
    %eq3A_102 = arith.constant 0 : i32
    %eq3A_103 = vector.broadcast %eq3A_102 : i32 to vector<16xi32>
    %eq3A_104 = arith.cmpi eq, %and3A_101, %eq3A_103 : vector<16xi32>
    %eq3A_105 = arith.constant 1 : i32
    %eq3A_106 = vector.broadcast %eq3A_105 : i32 to vector<16xi32>
    %eq3A_107 = arith.cmpi eq, %and3A_101, %eq3A_106 : vector<16xi32>
    %add3A_108 = arith.addi %broadcast_in_dim3A_5, %shift_right_arithmetic3A_98 : vector<16xi32>
    %select_n3A_109 = arith.select %eq3A_107, %broadcast_in_dim3A_7, %add3A_108 : vector<16xi1>, vector<16xi32>
    %select_n3A_110 = arith.select %eq3A_104, %broadcast_in_dim3A, %select_n3A_109 : vector<16xi1>, vector<16xi32>
    %swap3A_111 = arith.constant 64 : index
    %swap3A_112 = tpu.vector_load %arg3[%swap3A_111] {strides = array<i32>} : memref<768xi32, #tpu.memory_space<vmem>>, vector<16xi32>,
    %swap3A_113 = vector.shape_cast %swap3A_112 : vector<16xi32> to vector<16xi32>
    %swap3A_114 = vector.shape_cast %select_n3A_110 : vector<16xi32> to vector<16xi32>
    tpu.vector_store %arg3[%swap3A_111], %swap3A_114 {strides = array<i32>} : memref<768xi32, #tpu.memory_space<vmem>>, vector<16xi32>,
    %add3A_115 = arith.constant 80 : i32
    %add3A_116 = vector.broadcast %add3A_115 : i32 to vector<16xi32>
    %add3A_117 = arith.addi %add3A_116, %iota3A : vector<16xi32>
    %shift_right_arithmetic3A_118 = arith.constant 2 : i32
    %shift_right_arithmetic3A_119 = vector.broadcast %shift_right_arithmetic3A_118 : i32 to vector<16xi32>
    %shift_right_arithmetic3A_120 = arith.shrsi %add3A_117, %shift_right_arithmetic3A_119 : vector<16xi32>
    %and3A_121 = arith.constant 3 : i32
    %and3A_122 = vector.broadcast %and3A_121 : i32 to vector<16xi32>
    %and3A_123 = arith.andi %add3A_117, %and3A_122 : vector<16xi32>
    %eq3A_124 = arith.constant 0 : i32
    %eq3A_125 = vector.broadcast %eq3A_124 : i32 to vector<16xi32>
    %eq3A_126 = arith.cmpi eq, %and3A_123, %eq3A_125 : vector<16xi32>
    %eq3A_127 = arith.constant 1 : i32
    %eq3A_128 = vector.broadcast %eq3A_127 : i32 to vector<16xi32>
    %eq3A_129 = arith.cmpi eq, %and3A_123, %eq3A_128 : vector<16xi32>
    %add3A_130 = arith.addi %broadcast_in_dim3A_5, %shift_right_arithmetic3A_120 : vector<16xi32>
    %select_n3A_131 = arith.select %eq3A_129, %broadcast_in_dim3A_7, %add3A_130 : vector<16xi1>, vector<16xi32>
    %select_n3A_132 = arith.select %eq3A_126, %broadcast_in_dim3A, %select_n3A_131 : vector<16xi1>, vector<16xi32>
    %swap3A_133 = arith.constant 80 : index
    %swap3A_134 = tpu.vector_load %arg3[%swap3A_133] {strides = array<i32>} : memref<768xi32, #tpu.memory_space<vmem>>, vector<16xi32>,
    %swap3A_135 = vector.shape_cast %swap3A_134 : vector<16xi32> to vector<16xi32>
    %swap3A_136 = vector.shape_cast %select_n3A_132 : vector<16xi32> to vector<16xi32>
    tpu.vector_store %arg3[%swap3A_133], %swap3A_136 {strides = array<i32>} : memref<768xi32, #tpu.memory_space<vmem>>, vector<16xi32>,
    %add3A_137 = arith.constant 96 : i32
    %add3A_138 = vector.broadcast %add3A_137 : i32 to vector<16xi32>
    %add3A_139 = arith.addi %add3A_138, %iota3A : vector<16xi32>
    %shift_right_arithmetic3A_140 = arith.constant 2 : i32
    %shift_right_arithmetic3A_141 = vector.broadcast %shift_right_arithmetic3A_140 : i32 to vector<16xi32>
    %shift_right_arithmetic3A_142 = arith.shrsi %add3A_139, %shift_right_arithmetic3A_141 : vector<16xi32>
    %and3A_143 = arith.constant 3 : i32
    %and3A_144 = vector.broadcast %and3A_143 : i32 to vector<16xi32>
    %and3A_145 = arith.andi %add3A_139, %and3A_144 : vector<16xi32>
    %eq3A_146 = arith.constant 0 : i32
    %eq3A_147 = vector.broadcast %eq3A_146 : i32 to vector<16xi32>
    %eq3A_148 = arith.cmpi eq, %and3A_145, %eq3A_147 : vector<16xi32>
    %eq3A_149 = arith.constant 1 : i32
    %eq3A_150 = vector.broadcast %eq3A_149 : i32 to vector<16xi32>
    %eq3A_151 = arith.cmpi eq, %and3A_145, %eq3A_150 : vector<16xi32>
    %add3A_152 = arith.addi %broadcast_in_dim3A_5, %shift_right_arithmetic3A_142 : vector<16xi32>
    %select_n3A_153 = arith.select %eq3A_151, %broadcast_in_dim3A_7, %add3A_152 : vector<16xi1>, vector<16xi32>
    %select_n3A_154 = arith.select %eq3A_148, %broadcast_in_dim3A, %select_n3A_153 : vector<16xi1>, vector<16xi32>
    %swap3A_155 = arith.constant 96 : index
    %swap3A_156 = tpu.vector_load %arg3[%swap3A_155] {strides = array<i32>} : memref<768xi32, #tpu.memory_space<vmem>>, vector<16xi32>,
    %swap3A_157 = vector.shape_cast %swap3A_156 : vector<16xi32> to vector<16xi32>
    %swap3A_158 = vector.shape_cast %select_n3A_154 : vector<16xi32> to vector<16xi32>
    tpu.vector_store %arg3[%swap3A_155], %swap3A_158 {strides = array<i32>} : memref<768xi32, #tpu.memory_space<vmem>>, vector<16xi32>,
    %add3A_159 = arith.constant 112 : i32
    %add3A_160 = vector.broadcast %add3A_159 : i32 to vector<16xi32>
    %add3A_161 = arith.addi %add3A_160, %iota3A : vector<16xi32>
    %shift_right_arithmetic3A_162 = arith.constant 2 : i32
    %shift_right_arithmetic3A_163 = vector.broadcast %shift_right_arithmetic3A_162 : i32 to vector<16xi32>
    %shift_right_arithmetic3A_164 = arith.shrsi %add3A_161, %shift_right_arithmetic3A_163 : vector<16xi32>
    %and3A_165 = arith.constant 3 : i32
    %and3A_166 = vector.broadcast %and3A_165 : i32 to vector<16xi32>
    %and3A_167 = arith.andi %add3A_161, %and3A_166 : vector<16xi32>
    %eq3A_168 = arith.constant 0 : i32
    %eq3A_169 = vector.broadcast %eq3A_168 : i32 to vector<16xi32>
    %eq3A_170 = arith.cmpi eq, %and3A_167, %eq3A_169 : vector<16xi32>
    %eq3A_171 = arith.constant 1 : i32
    %eq3A_172 = vector.broadcast %eq3A_171 : i32 to vector<16xi32>
    %eq3A_173 = arith.cmpi eq, %and3A_167, %eq3A_172 : vector<16xi32>
    %add3A_174 = arith.addi %broadcast_in_dim3A_5, %shift_right_arithmetic3A_164 : vector<16xi32>
    %select_n3A_175 = arith.select %eq3A_173, %broadcast_in_dim3A_7, %add3A_174 : vector<16xi1>, vector<16xi32>
    %select_n3A_176 = arith.select %eq3A_170, %broadcast_in_dim3A, %select_n3A_175 : vector<16xi1>, vector<16xi32>
    %swap3A_177 = arith.constant 112 : index
    %swap3A_178 = tpu.vector_load %arg3[%swap3A_177] {strides = array<i32>} : memref<768xi32, #tpu.memory_space<vmem>>, vector<16xi32>,
    %swap3A_179 = vector.shape_cast %swap3A_178 : vector<16xi32> to vector<16xi32>
    %swap3A_180 = vector.shape_cast %select_n3A_176 : vector<16xi32> to vector<16xi32>
    tpu.vector_store %arg3[%swap3A_177], %swap3A_180 {strides = array<i32>} : memref<768xi32, #tpu.memory_space<vmem>>, vector<16xi32>,
    %add3A_181 = arith.constant 128 : i32
    %add3A_182 = vector.broadcast %add3A_181 : i32 to vector<16xi32>
    %add3A_183 = arith.addi %add3A_182, %iota3A : vector<16xi32>
    %shift_right_arithmetic3A_184 = arith.constant 2 : i32
    %shift_right_arithmetic3A_185 = vector.broadcast %shift_right_arithmetic3A_184 : i32 to vector<16xi32>
    %shift_right_arithmetic3A_186 = arith.shrsi %add3A_183, %shift_right_arithmetic3A_185 : vector<16xi32>
    %and3A_187 = arith.constant 3 : i32
    %and3A_188 = vector.broadcast %and3A_187 : i32 to vector<16xi32>
    %and3A_189 = arith.andi %add3A_183, %and3A_188 : vector<16xi32>
    %eq3A_190 = arith.constant 0 : i32
    %eq3A_191 = vector.broadcast %eq3A_190 : i32 to vector<16xi32>
    %eq3A_192 = arith.cmpi eq, %and3A_189, %eq3A_191 : vector<16xi32>
    %eq3A_193 = arith.constant 1 : i32
    %eq3A_194 = vector.broadcast %eq3A_193 : i32 to vector<16xi32>
    %eq3A_195 = arith.cmpi eq, %and3A_189, %eq3A_194 : vector<16xi32>
    %add3A_196 = arith.addi %broadcast_in_dim3A_5, %shift_right_arithmetic3A_186 : vector<16xi32>
    %select_n3A_197 = arith.select %eq3A_195, %broadcast_in_dim3A_7, %add3A_196 : vector<16xi1>, vector<16xi32>
    %select_n3A_198 = arith.select %eq3A_192, %broadcast_in_dim3A, %select_n3A_197 : vector<16xi1>, vector<16xi32>
    %swap3A_199 = arith.constant 128 : index
    %swap3A_200 = tpu.vector_load %arg3[%swap3A_199] {strides = array<i32>} : memref<768xi32, #tpu.memory_space<vmem>>, vector<16xi32>,
    %swap3A_201 = vector.shape_cast %swap3A_200 : vector<16xi32> to vector<16xi32>
    %swap3A_202 = vector.shape_cast %select_n3A_198 : vector<16xi32> to vector<16xi32>
    tpu.vector_store %arg3[%swap3A_199], %swap3A_202 {strides = array<i32>} : memref<768xi32, #tpu.memory_space<vmem>>, vector<16xi32>,
    %add3A_203 = arith.constant 144 : i32
    %add3A_204 = vector.broadcast %add3A_203 : i32 to vector<16xi32>
    %add3A_205 = arith.addi %add3A_204, %iota3A : vector<16xi32>
    %shift_right_arithmetic3A_206 = arith.constant 2 : i32
    %shift_right_arithmetic3A_207 = vector.broadcast %shift_right_arithmetic3A_206 : i32 to vector<16xi32>
    %shift_right_arithmetic3A_208 = arith.shrsi %add3A_205, %shift_right_arithmetic3A_207 : vector<16xi32>
    %and3A_209 = arith.constant 3 : i32
    %and3A_210 = vector.broadcast %and3A_209 : i32 to vector<16xi32>
    %and3A_211 = arith.andi %add3A_205, %and3A_210 : vector<16xi32>
    %eq3A_212 = arith.constant 0 : i32
    %eq3A_213 = vector.broadcast %eq3A_212 : i32 to vector<16xi32>
    %eq3A_214 = arith.cmpi eq, %and3A_211, %eq3A_213 : vector<16xi32>
    %eq3A_215 = arith.constant 1 : i32
    %eq3A_216 = vector.broadcast %eq3A_215 : i32 to vector<16xi32>
    %eq3A_217 = arith.cmpi eq, %and3A_211, %eq3A_216 : vector<16xi32>
    %add3A_218 = arith.addi %broadcast_in_dim3A_5, %shift_right_arithmetic3A_208 : vector<16xi32>
    %select_n3A_219 = arith.select %eq3A_217, %broadcast_in_dim3A_7, %add3A_218 : vector<16xi1>, vector<16xi32>
    %select_n3A_220 = arith.select %eq3A_214, %broadcast_in_dim3A, %select_n3A_219 : vector<16xi1>, vector<16xi32>
    %swap3A_221 = arith.constant 144 : index
    %swap3A_222 = tpu.vector_load %arg3[%swap3A_221] {strides = array<i32>} : memref<768xi32, #tpu.memory_space<vmem>>, vector<16xi32>,
    %swap3A_223 = vector.shape_cast %swap3A_222 : vector<16xi32> to vector<16xi32>
    %swap3A_224 = vector.shape_cast %select_n3A_220 : vector<16xi32> to vector<16xi32>
    tpu.vector_store %arg3[%swap3A_221], %swap3A_224 {strides = array<i32>} : memref<768xi32, #tpu.memory_space<vmem>>, vector<16xi32>,
    %add3A_225 = arith.constant 160 : i32
    %add3A_226 = vector.broadcast %add3A_225 : i32 to vector<16xi32>
    %add3A_227 = arith.addi %add3A_226, %iota3A : vector<16xi32>
    %shift_right_arithmetic3A_228 = arith.constant 2 : i32
    %shift_right_arithmetic3A_229 = vector.broadcast %shift_right_arithmetic3A_228 : i32 to vector<16xi32>
    %shift_right_arithmetic3A_230 = arith.shrsi %add3A_227, %shift_right_arithmetic3A_229 : vector<16xi32>
    %and3A_231 = arith.constant 3 : i32
    %and3A_232 = vector.broadcast %and3A_231 : i32 to vector<16xi32>
    %and3A_233 = arith.andi %add3A_227, %and3A_232 : vector<16xi32>
    %eq3A_234 = arith.constant 0 : i32
    %eq3A_235 = vector.broadcast %eq3A_234 : i32 to vector<16xi32>
    %eq3A_236 = arith.cmpi eq, %and3A_233, %eq3A_235 : vector<16xi32>
    %eq3A_237 = arith.constant 1 : i32
    %eq3A_238 = vector.broadcast %eq3A_237 : i32 to vector<16xi32>
    %eq3A_239 = arith.cmpi eq, %and3A_233, %eq3A_238 : vector<16xi32>
    %add3A_240 = arith.addi %broadcast_in_dim3A_5, %shift_right_arithmetic3A_230 : vector<16xi32>
    %select_n3A_241 = arith.select %eq3A_239, %broadcast_in_dim3A_7, %add3A_240 : vector<16xi1>, vector<16xi32>
    %select_n3A_242 = arith.select %eq3A_236, %broadcast_in_dim3A, %select_n3A_241 : vector<16xi1>, vector<16xi32>
    %swap3A_243 = arith.constant 160 : index
    %swap3A_244 = tpu.vector_load %arg3[%swap3A_243] {strides = array<i32>} : memref<768xi32, #tpu.memory_space<vmem>>, vector<16xi32>,
    %swap3A_245 = vector.shape_cast %swap3A_244 : vector<16xi32> to vector<16xi32>
    %swap3A_246 = vector.shape_cast %select_n3A_242 : vector<16xi32> to vector<16xi32>
    tpu.vector_store %arg3[%swap3A_243], %swap3A_246 {strides = array<i32>} : memref<768xi32, #tpu.memory_space<vmem>>, vector<16xi32>,
    %add3A_247 = arith.constant 176 : i32
    %add3A_248 = vector.broadcast %add3A_247 : i32 to vector<16xi32>
    %add3A_249 = arith.addi %add3A_248, %iota3A : vector<16xi32>
    %shift_right_arithmetic3A_250 = arith.constant 2 : i32
    %shift_right_arithmetic3A_251 = vector.broadcast %shift_right_arithmetic3A_250 : i32 to vector<16xi32>
    %shift_right_arithmetic3A_252 = arith.shrsi %add3A_249, %shift_right_arithmetic3A_251 : vector<16xi32>
    %and3A_253 = arith.constant 3 : i32
    %and3A_254 = vector.broadcast %and3A_253 : i32 to vector<16xi32>
    %and3A_255 = arith.andi %add3A_249, %and3A_254 : vector<16xi32>
    %eq3A_256 = arith.constant 0 : i32
    %eq3A_257 = vector.broadcast %eq3A_256 : i32 to vector<16xi32>
    %eq3A_258 = arith.cmpi eq, %and3A_255, %eq3A_257 : vector<16xi32>
    %eq3A_259 = arith.constant 1 : i32
    %eq3A_260 = vector.broadcast %eq3A_259 : i32 to vector<16xi32>
    %eq3A_261 = arith.cmpi eq, %and3A_255, %eq3A_260 : vector<16xi32>
    %add3A_262 = arith.addi %broadcast_in_dim3A_5, %shift_right_arithmetic3A_252 : vector<16xi32>
    %select_n3A_263 = arith.select %eq3A_261, %broadcast_in_dim3A_7, %add3A_262 : vector<16xi1>, vector<16xi32>
    %select_n3A_264 = arith.select %eq3A_258, %broadcast_in_dim3A, %select_n3A_263 : vector<16xi1>, vector<16xi32>
    %swap3A_265 = arith.constant 176 : index
    %swap3A_266 = tpu.vector_load %arg3[%swap3A_265] {strides = array<i32>} : memref<768xi32, #tpu.memory_space<vmem>>, vector<16xi32>,
    %swap3A_267 = vector.shape_cast %swap3A_266 : vector<16xi32> to vector<16xi32>
    %swap3A_268 = vector.shape_cast %select_n3A_264 : vector<16xi32> to vector<16xi32>
    tpu.vector_store %arg3[%swap3A_265], %swap3A_268 {strides = array<i32>} : memref<768xi32, #tpu.memory_space<vmem>>, vector<16xi32>,
    %add3A_269 = arith.constant 192 : i32
    %add3A_270 = vector.broadcast %add3A_269 : i32 to vector<16xi32>
    %add3A_271 = arith.addi %add3A_270, %iota3A : vector<16xi32>
    %shift_right_arithmetic3A_272 = arith.constant 2 : i32
    %shift_right_arithmetic3A_273 = vector.broadcast %shift_right_arithmetic3A_272 : i32 to vector<16xi32>
    %shift_right_arithmetic3A_274 = arith.shrsi %add3A_271, %shift_right_arithmetic3A_273 : vector<16xi32>
    %and3A_275 = arith.constant 3 : i32
    %and3A_276 = vector.broadcast %and3A_275 : i32 to vector<16xi32>
    %and3A_277 = arith.andi %add3A_271, %and3A_276 : vector<16xi32>
    %eq3A_278 = arith.constant 0 : i32
    %eq3A_279 = vector.broadcast %eq3A_278 : i32 to vector<16xi32>
    %eq3A_280 = arith.cmpi eq, %and3A_277, %eq3A_279 : vector<16xi32>
    %eq3A_281 = arith.constant 1 : i32
    %eq3A_282 = vector.broadcast %eq3A_281 : i32 to vector<16xi32>
    %eq3A_283 = arith.cmpi eq, %and3A_277, %eq3A_282 : vector<16xi32>
    %add3A_284 = arith.addi %broadcast_in_dim3A_5, %shift_right_arithmetic3A_274 : vector<16xi32>
    %select_n3A_285 = arith.select %eq3A_283, %broadcast_in_dim3A_7, %add3A_284 : vector<16xi1>, vector<16xi32>
    %select_n3A_286 = arith.select %eq3A_280, %broadcast_in_dim3A, %select_n3A_285 : vector<16xi1>, vector<16xi32>
    %swap3A_287 = arith.constant 192 : index
    %swap3A_288 = tpu.vector_load %arg3[%swap3A_287] {strides = array<i32>} : memref<768xi32, #tpu.memory_space<vmem>>, vector<16xi32>,
    %swap3A_289 = vector.shape_cast %swap3A_288 : vector<16xi32> to vector<16xi32>
    %swap3A_290 = vector.shape_cast %select_n3A_286 : vector<16xi32> to vector<16xi32>
    tpu.vector_store %arg3[%swap3A_287], %swap3A_290 {strides = array<i32>} : memref<768xi32, #tpu.memory_space<vmem>>, vector<16xi32>,
    %add3A_291 = arith.constant 208 : i32
    %add3A_292 = vector.broadcast %add3A_291 : i32 to vector<16xi32>
    %add3A_293 = arith.addi %add3A_292, %iota3A : vector<16xi32>
    %shift_right_arithmetic3A_294 = arith.constant 2 : i32
    %shift_right_arithmetic3A_295 = vector.broadcast %shift_right_arithmetic3A_294 : i32 to vector<16xi32>
    %shift_right_arithmetic3A_296 = arith.shrsi %add3A_293, %shift_right_arithmetic3A_295 : vector<16xi32>
    %and3A_297 = arith.constant 3 : i32
    %and3A_298 = vector.broadcast %and3A_297 : i32 to vector<16xi32>
    %and3A_299 = arith.andi %add3A_293, %and3A_298 : vector<16xi32>
    %eq3A_300 = arith.constant 0 : i32
    %eq3A_301 = vector.broadcast %eq3A_300 : i32 to vector<16xi32>
    %eq3A_302 = arith.cmpi eq, %and3A_299, %eq3A_301 : vector<16xi32>
    %eq3A_303 = arith.constant 1 : i32
    %eq3A_304 = vector.broadcast %eq3A_303 : i32 to vector<16xi32>
    %eq3A_305 = arith.cmpi eq, %and3A_299, %eq3A_304 : vector<16xi32>
    %add3A_306 = arith.addi %broadcast_in_dim3A_5, %shift_right_arithmetic3A_296 : vector<16xi32>
    %select_n3A_307 = arith.select %eq3A_305, %broadcast_in_dim3A_7, %add3A_306 : vector<16xi1>, vector<16xi32>
    %select_n3A_308 = arith.select %eq3A_302, %broadcast_in_dim3A, %select_n3A_307 : vector<16xi1>, vector<16xi32>
    %swap3A_309 = arith.constant 208 : index
    %swap3A_310 = tpu.vector_load %arg3[%swap3A_309] {strides = array<i32>} : memref<768xi32, #tpu.memory_space<vmem>>, vector<16xi32>,
    %swap3A_311 = vector.shape_cast %swap3A_310 : vector<16xi32> to vector<16xi32>
    %swap3A_312 = vector.shape_cast %select_n3A_308 : vector<16xi32> to vector<16xi32>
    tpu.vector_store %arg3[%swap3A_309], %swap3A_312 {strides = array<i32>} : memref<768xi32, #tpu.memory_space<vmem>>, vector<16xi32>,
    %add3A_313 = arith.constant 224 : i32
    %add3A_314 = vector.broadcast %add3A_313 : i32 to vector<16xi32>
    %add3A_315 = arith.addi %add3A_314, %iota3A : vector<16xi32>
    %shift_right_arithmetic3A_316 = arith.constant 2 : i32
    %shift_right_arithmetic3A_317 = vector.broadcast %shift_right_arithmetic3A_316 : i32 to vector<16xi32>
    %shift_right_arithmetic3A_318 = arith.shrsi %add3A_315, %shift_right_arithmetic3A_317 : vector<16xi32>
    %and3A_319 = arith.constant 3 : i32
    %and3A_320 = vector.broadcast %and3A_319 : i32 to vector<16xi32>
    %and3A_321 = arith.andi %add3A_315, %and3A_320 : vector<16xi32>
    %eq3A_322 = arith.constant 0 : i32
    %eq3A_323 = vector.broadcast %eq3A_322 : i32 to vector<16xi32>
    %eq3A_324 = arith.cmpi eq, %and3A_321, %eq3A_323 : vector<16xi32>
    %eq3A_325 = arith.constant 1 : i32
    %eq3A_326 = vector.broadcast %eq3A_325 : i32 to vector<16xi32>
    %eq3A_327 = arith.cmpi eq, %and3A_321, %eq3A_326 : vector<16xi32>
    %add3A_328 = arith.addi %broadcast_in_dim3A_5, %shift_right_arithmetic3A_318 : vector<16xi32>
    %select_n3A_329 = arith.select %eq3A_327, %broadcast_in_dim3A_7, %add3A_328 : vector<16xi1>, vector<16xi32>
    %select_n3A_330 = arith.select %eq3A_324, %broadcast_in_dim3A, %select_n3A_329 : vector<16xi1>, vector<16xi32>
    %swap3A_331 = arith.constant 224 : index
    %swap3A_332 = tpu.vector_load %arg3[%swap3A_331] {strides = array<i32>} : memref<768xi32, #tpu.memory_space<vmem>>, vector<16xi32>,
    %swap3A_333 = vector.shape_cast %swap3A_332 : vector<16xi32> to vector<16xi32>
    %swap3A_334 = vector.shape_cast %select_n3A_330 : vector<16xi32> to vector<16xi32>
    tpu.vector_store %arg3[%swap3A_331], %swap3A_334 {strides = array<i32>} : memref<768xi32, #tpu.memory_space<vmem>>, vector<16xi32>,
    %add3A_335 = arith.constant 240 : i32
    %add3A_336 = vector.broadcast %add3A_335 : i32 to vector<16xi32>
    %add3A_337 = arith.addi %add3A_336, %iota3A : vector<16xi32>
    %shift_right_arithmetic3A_338 = arith.constant 2 : i32
    %shift_right_arithmetic3A_339 = vector.broadcast %shift_right_arithmetic3A_338 : i32 to vector<16xi32>
    %shift_right_arithmetic3A_340 = arith.shrsi %add3A_337, %shift_right_arithmetic3A_339 : vector<16xi32>
    %and3A_341 = arith.constant 3 : i32
    %and3A_342 = vector.broadcast %and3A_341 : i32 to vector<16xi32>
    %and3A_343 = arith.andi %add3A_337, %and3A_342 : vector<16xi32>
    %eq3A_344 = arith.constant 0 : i32
    %eq3A_345 = vector.broadcast %eq3A_344 : i32 to vector<16xi32>
    %eq3A_346 = arith.cmpi eq, %and3A_343, %eq3A_345 : vector<16xi32>
    %eq3A_347 = arith.constant 1 : i32
    %eq3A_348 = vector.broadcast %eq3A_347 : i32 to vector<16xi32>
    %eq3A_349 = arith.cmpi eq, %and3A_343, %eq3A_348 : vector<16xi32>
    %add3A_350 = arith.addi %broadcast_in_dim3A_5, %shift_right_arithmetic3A_340 : vector<16xi32>
    %select_n3A_351 = arith.select %eq3A_349, %broadcast_in_dim3A_7, %add3A_350 : vector<16xi1>, vector<16xi32>
    %select_n3A_352 = arith.select %eq3A_346, %broadcast_in_dim3A, %select_n3A_351 : vector<16xi1>, vector<16xi32>
    %swap3A_353 = arith.constant 240 : index
    %swap3A_354 = tpu.vector_load %arg3[%swap3A_353] {strides = array<i32>} : memref<768xi32, #tpu.memory_space<vmem>>, vector<16xi32>,
    %swap3A_355 = vector.shape_cast %swap3A_354 : vector<16xi32> to vector<16xi32>
    %swap3A_356 = vector.shape_cast %select_n3A_352 : vector<16xi32> to vector<16xi32>
    tpu.vector_store %arg3[%swap3A_353], %swap3A_356 {strides = array<i32>} : memref<768xi32, #tpu.memory_space<vmem>>, vector<16xi32>,
    %add3A_357 = arith.constant 256 : i32
    %add3A_358 = vector.broadcast %add3A_357 : i32 to vector<16xi32>
    %add3A_359 = arith.addi %add3A_358, %iota3A : vector<16xi32>
    %shift_right_arithmetic3A_360 = arith.constant 2 : i32
    %shift_right_arithmetic3A_361 = vector.broadcast %shift_right_arithmetic3A_360 : i32 to vector<16xi32>
    %shift_right_arithmetic3A_362 = arith.shrsi %add3A_359, %shift_right_arithmetic3A_361 : vector<16xi32>
    %and3A_363 = arith.constant 3 : i32
    %and3A_364 = vector.broadcast %and3A_363 : i32 to vector<16xi32>
    %and3A_365 = arith.andi %add3A_359, %and3A_364 : vector<16xi32>
    %eq3A_366 = arith.constant 0 : i32
    %eq3A_367 = vector.broadcast %eq3A_366 : i32 to vector<16xi32>
    %eq3A_368 = arith.cmpi eq, %and3A_365, %eq3A_367 : vector<16xi32>
    %eq3A_369 = arith.constant 1 : i32
    %eq3A_370 = vector.broadcast %eq3A_369 : i32 to vector<16xi32>
    %eq3A_371 = arith.cmpi eq, %and3A_365, %eq3A_370 : vector<16xi32>
    %add3A_372 = arith.addi %broadcast_in_dim3A_5, %shift_right_arithmetic3A_362 : vector<16xi32>
    %select_n3A_373 = arith.select %eq3A_371, %broadcast_in_dim3A_7, %add3A_372 : vector<16xi1>, vector<16xi32>
    %select_n3A_374 = arith.select %eq3A_368, %broadcast_in_dim3A, %select_n3A_373 : vector<16xi1>, vector<16xi32>
    %swap3A_375 = arith.constant 256 : index
    %swap3A_376 = tpu.vector_load %arg3[%swap3A_375] {strides = array<i32>} : memref<768xi32, #tpu.memory_space<vmem>>, vector<16xi32>,
    %swap3A_377 = vector.shape_cast %swap3A_376 : vector<16xi32> to vector<16xi32>
    %swap3A_378 = vector.shape_cast %select_n3A_374 : vector<16xi32> to vector<16xi32>
    tpu.vector_store %arg3[%swap3A_375], %swap3A_378 {strides = array<i32>} : memref<768xi32, #tpu.memory_space<vmem>>, vector<16xi32>,
    %add3A_379 = arith.constant 272 : i32
    %add3A_380 = vector.broadcast %add3A_379 : i32 to vector<16xi32>
    %add3A_381 = arith.addi %add3A_380, %iota3A : vector<16xi32>
    %shift_right_arithmetic3A_382 = arith.constant 2 : i32
    %shift_right_arithmetic3A_383 = vector.broadcast %shift_right_arithmetic3A_382 : i32 to vector<16xi32>
    %shift_right_arithmetic3A_384 = arith.shrsi %add3A_381, %shift_right_arithmetic3A_383 : vector<16xi32>
    %and3A_385 = arith.constant 3 : i32
    %and3A_386 = vector.broadcast %and3A_385 : i32 to vector<16xi32>
    %and3A_387 = arith.andi %add3A_381, %and3A_386 : vector<16xi32>
    %eq3A_388 = arith.constant 0 : i32
    %eq3A_389 = vector.broadcast %eq3A_388 : i32 to vector<16xi32>
    %eq3A_390 = arith.cmpi eq, %and3A_387, %eq3A_389 : vector<16xi32>
    %eq3A_391 = arith.constant 1 : i32
    %eq3A_392 = vector.broadcast %eq3A_391 : i32 to vector<16xi32>
    %eq3A_393 = arith.cmpi eq, %and3A_387, %eq3A_392 : vector<16xi32>
    %add3A_394 = arith.addi %broadcast_in_dim3A_5, %shift_right_arithmetic3A_384 : vector<16xi32>
    %select_n3A_395 = arith.select %eq3A_393, %broadcast_in_dim3A_7, %add3A_394 : vector<16xi1>, vector<16xi32>
    %select_n3A_396 = arith.select %eq3A_390, %broadcast_in_dim3A, %select_n3A_395 : vector<16xi1>, vector<16xi32>
    %swap3A_397 = arith.constant 272 : index
    %swap3A_398 = tpu.vector_load %arg3[%swap3A_397] {strides = array<i32>} : memref<768xi32, #tpu.memory_space<vmem>>, vector<16xi32>,
    %swap3A_399 = vector.shape_cast %swap3A_398 : vector<16xi32> to vector<16xi32>
    %swap3A_400 = vector.shape_cast %select_n3A_396 : vector<16xi32> to vector<16xi32>
    tpu.vector_store %arg3[%swap3A_397], %swap3A_400 {strides = array<i32>} : memref<768xi32, #tpu.memory_space<vmem>>, vector<16xi32>,
    %add3A_401 = arith.constant 288 : i32
    %add3A_402 = vector.broadcast %add3A_401 : i32 to vector<16xi32>
    %add3A_403 = arith.addi %add3A_402, %iota3A : vector<16xi32>
    %shift_right_arithmetic3A_404 = arith.constant 2 : i32
    %shift_right_arithmetic3A_405 = vector.broadcast %shift_right_arithmetic3A_404 : i32 to vector<16xi32>
    %shift_right_arithmetic3A_406 = arith.shrsi %add3A_403, %shift_right_arithmetic3A_405 : vector<16xi32>
    %and3A_407 = arith.constant 3 : i32
    %and3A_408 = vector.broadcast %and3A_407 : i32 to vector<16xi32>
    %and3A_409 = arith.andi %add3A_403, %and3A_408 : vector<16xi32>
    %eq3A_410 = arith.constant 0 : i32
    %eq3A_411 = vector.broadcast %eq3A_410 : i32 to vector<16xi32>
    %eq3A_412 = arith.cmpi eq, %and3A_409, %eq3A_411 : vector<16xi32>
    %eq3A_413 = arith.constant 1 : i32
    %eq3A_414 = vector.broadcast %eq3A_413 : i32 to vector<16xi32>
    %eq3A_415 = arith.cmpi eq, %and3A_409, %eq3A_414 : vector<16xi32>
    %add3A_416 = arith.addi %broadcast_in_dim3A_5, %shift_right_arithmetic3A_406 : vector<16xi32>
    %select_n3A_417 = arith.select %eq3A_415, %broadcast_in_dim3A_7, %add3A_416 : vector<16xi1>, vector<16xi32>
    %select_n3A_418 = arith.select %eq3A_412, %broadcast_in_dim3A, %select_n3A_417 : vector<16xi1>, vector<16xi32>
    %swap3A_419 = arith.constant 288 : index
    %swap3A_420 = tpu.vector_load %arg3[%swap3A_419] {strides = array<i32>} : memref<768xi32, #tpu.memory_space<vmem>>, vector<16xi32>,
    %swap3A_421 = vector.shape_cast %swap3A_420 : vector<16xi32> to vector<16xi32>
    %swap3A_422 = vector.shape_cast %select_n3A_418 : vector<16xi32> to vector<16xi32>
    tpu.vector_store %arg3[%swap3A_419], %swap3A_422 {strides = array<i32>} : memref<768xi32, #tpu.memory_space<vmem>>, vector<16xi32>,
    %add3A_423 = arith.constant 304 : i32
    %add3A_424 = vector.broadcast %add3A_423 : i32 to vector<16xi32>
    %add3A_425 = arith.addi %add3A_424, %iota3A : vector<16xi32>
    %shift_right_arithmetic3A_426 = arith.constant 2 : i32
    %shift_right_arithmetic3A_427 = vector.broadcast %shift_right_arithmetic3A_426 : i32 to vector<16xi32>
    %shift_right_arithmetic3A_428 = arith.shrsi %add3A_425, %shift_right_arithmetic3A_427 : vector<16xi32>
    %and3A_429 = arith.constant 3 : i32
    %and3A_430 = vector.broadcast %and3A_429 : i32 to vector<16xi32>
    %and3A_431 = arith.andi %add3A_425, %and3A_430 : vector<16xi32>
    %eq3A_432 = arith.constant 0 : i32
    %eq3A_433 = vector.broadcast %eq3A_432 : i32 to vector<16xi32>
    %eq3A_434 = arith.cmpi eq, %and3A_431, %eq3A_433 : vector<16xi32>
    %eq3A_435 = arith.constant 1 : i32
    %eq3A_436 = vector.broadcast %eq3A_435 : i32 to vector<16xi32>
    %eq3A_437 = arith.cmpi eq, %and3A_431, %eq3A_436 : vector<16xi32>
    %add3A_438 = arith.addi %broadcast_in_dim3A_5, %shift_right_arithmetic3A_428 : vector<16xi32>
    %select_n3A_439 = arith.select %eq3A_437, %broadcast_in_dim3A_7, %add3A_438 : vector<16xi1>, vector<16xi32>
    %select_n3A_440 = arith.select %eq3A_434, %broadcast_in_dim3A, %select_n3A_439 : vector<16xi1>, vector<16xi32>
    %swap3A_441 = arith.constant 304 : index
    %swap3A_442 = tpu.vector_load %arg3[%swap3A_441] {strides = array<i32>} : memref<768xi32, #tpu.memory_space<vmem>>, vector<16xi32>,
    %swap3A_443 = vector.shape_cast %swap3A_442 : vector<16xi32> to vector<16xi32>
    %swap3A_444 = vector.shape_cast %select_n3A_440 : vector<16xi32> to vector<16xi32>
    tpu.vector_store %arg3[%swap3A_441], %swap3A_444 {strides = array<i32>} : memref<768xi32, #tpu.memory_space<vmem>>, vector<16xi32>,
    %add3A_445 = arith.constant 320 : i32
    %add3A_446 = vector.broadcast %add3A_445 : i32 to vector<16xi32>
    %add3A_447 = arith.addi %add3A_446, %iota3A : vector<16xi32>
    %shift_right_arithmetic3A_448 = arith.constant 2 : i32
    %shift_right_arithmetic3A_449 = vector.broadcast %shift_right_arithmetic3A_448 : i32 to vector<16xi32>
    %shift_right_arithmetic3A_450 = arith.shrsi %add3A_447, %shift_right_arithmetic3A_449 : vector<16xi32>
    %and3A_451 = arith.constant 3 : i32
    %and3A_452 = vector.broadcast %and3A_451 : i32 to vector<16xi32>
    %and3A_453 = arith.andi %add3A_447, %and3A_452 : vector<16xi32>
    %eq3A_454 = arith.constant 0 : i32
    %eq3A_455 = vector.broadcast %eq3A_454 : i32 to vector<16xi32>
    %eq3A_456 = arith.cmpi eq, %and3A_453, %eq3A_455 : vector<16xi32>
    %eq3A_457 = arith.constant 1 : i32
    %eq3A_458 = vector.broadcast %eq3A_457 : i32 to vector<16xi32>
    %eq3A_459 = arith.cmpi eq, %and3A_453, %eq3A_458 : vector<16xi32>
    %add3A_460 = arith.addi %broadcast_in_dim3A_5, %shift_right_arithmetic3A_450 : vector<16xi32>
    %select_n3A_461 = arith.select %eq3A_459, %broadcast_in_dim3A_7, %add3A_460 : vector<16xi1>, vector<16xi32>
    %select_n3A_462 = arith.select %eq3A_456, %broadcast_in_dim3A, %select_n3A_461 : vector<16xi1>, vector<16xi32>
    %swap3A_463 = arith.constant 320 : index
    %swap3A_464 = tpu.vector_load %arg3[%swap3A_463] {strides = array<i32>} : memref<768xi32, #tpu.memory_space<vmem>>, vector<16xi32>,
    %swap3A_465 = vector.shape_cast %swap3A_464 : vector<16xi32> to vector<16xi32>
    %swap3A_466 = vector.shape_cast %select_n3A_462 : vector<16xi32> to vector<16xi32>
    tpu.vector_store %arg3[%swap3A_463], %swap3A_466 {strides = array<i32>} : memref<768xi32, #tpu.memory_space<vmem>>, vector<16xi32>,
    %add3A_467 = arith.constant 336 : i32
    %add3A_468 = vector.broadcast %add3A_467 : i32 to vector<16xi32>
    %add3A_469 = arith.addi %add3A_468, %iota3A : vector<16xi32>
    %shift_right_arithmetic3A_470 = arith.constant 2 : i32
    %shift_right_arithmetic3A_471 = vector.broadcast %shift_right_arithmetic3A_470 : i32 to vector<16xi32>
    %shift_right_arithmetic3A_472 = arith.shrsi %add3A_469, %shift_right_arithmetic3A_471 : vector<16xi32>
    %and3A_473 = arith.constant 3 : i32
    %and3A_474 = vector.broadcast %and3A_473 : i32 to vector<16xi32>
    %and3A_475 = arith.andi %add3A_469, %and3A_474 : vector<16xi32>
    %eq3A_476 = arith.constant 0 : i32
    %eq3A_477 = vector.broadcast %eq3A_476 : i32 to vector<16xi32>
    %eq3A_478 = arith.cmpi eq, %and3A_475, %eq3A_477 : vector<16xi32>
    %eq3A_479 = arith.constant 1 : i32
    %eq3A_480 = vector.broadcast %eq3A_479 : i32 to vector<16xi32>
    %eq3A_481 = arith.cmpi eq, %and3A_475, %eq3A_480 : vector<16xi32>
    %add3A_482 = arith.addi %broadcast_in_dim3A_5, %shift_right_arithmetic3A_472 : vector<16xi32>
    %select_n3A_483 = arith.select %eq3A_481, %broadcast_in_dim3A_7, %add3A_482 : vector<16xi1>, vector<16xi32>
    %select_n3A_484 = arith.select %eq3A_478, %broadcast_in_dim3A, %select_n3A_483 : vector<16xi1>, vector<16xi32>
    %swap3A_485 = arith.constant 336 : index
    %swap3A_486 = tpu.vector_load %arg3[%swap3A_485] {strides = array<i32>} : memref<768xi32, #tpu.memory_space<vmem>>, vector<16xi32>,
    %swap3A_487 = vector.shape_cast %swap3A_486 : vector<16xi32> to vector<16xi32>
    %swap3A_488 = vector.shape_cast %select_n3A_484 : vector<16xi32> to vector<16xi32>
    tpu.vector_store %arg3[%swap3A_485], %swap3A_488 {strides = array<i32>} : memref<768xi32, #tpu.memory_space<vmem>>, vector<16xi32>,
    %add3A_489 = arith.constant 352 : i32
    %add3A_490 = vector.broadcast %add3A_489 : i32 to vector<16xi32>
    %add3A_491 = arith.addi %add3A_490, %iota3A : vector<16xi32>
    %shift_right_arithmetic3A_492 = arith.constant 2 : i32
    %shift_right_arithmetic3A_493 = vector.broadcast %shift_right_arithmetic3A_492 : i32 to vector<16xi32>
    %shift_right_arithmetic3A_494 = arith.shrsi %add3A_491, %shift_right_arithmetic3A_493 : vector<16xi32>
    %and3A_495 = arith.constant 3 : i32
    %and3A_496 = vector.broadcast %and3A_495 : i32 to vector<16xi32>
    %and3A_497 = arith.andi %add3A_491, %and3A_496 : vector<16xi32>
    %eq3A_498 = arith.constant 0 : i32
    %eq3A_499 = vector.broadcast %eq3A_498 : i32 to vector<16xi32>
    %eq3A_500 = arith.cmpi eq, %and3A_497, %eq3A_499 : vector<16xi32>
    %eq3A_501 = arith.constant 1 : i32
    %eq3A_502 = vector.broadcast %eq3A_501 : i32 to vector<16xi32>
    %eq3A_503 = arith.cmpi eq, %and3A_497, %eq3A_502 : vector<16xi32>
    %add3A_504 = arith.addi %broadcast_in_dim3A_5, %shift_right_arithmetic3A_494 : vector<16xi32>
    %select_n3A_505 = arith.select %eq3A_503, %broadcast_in_dim3A_7, %add3A_504 : vector<16xi1>, vector<16xi32>
    %select_n3A_506 = arith.select %eq3A_500, %broadcast_in_dim3A, %select_n3A_505 : vector<16xi1>, vector<16xi32>
    %swap3A_507 = arith.constant 352 : index
    %swap3A_508 = tpu.vector_load %arg3[%swap3A_507] {strides = array<i32>} : memref<768xi32, #tpu.memory_space<vmem>>, vector<16xi32>,
    %swap3A_509 = vector.shape_cast %swap3A_508 : vector<16xi32> to vector<16xi32>
    %swap3A_510 = vector.shape_cast %select_n3A_506 : vector<16xi32> to vector<16xi32>
    tpu.vector_store %arg3[%swap3A_507], %swap3A_510 {strides = array<i32>} : memref<768xi32, #tpu.memory_space<vmem>>, vector<16xi32>,
    %add3A_511 = arith.constant 368 : i32
    %add3A_512 = vector.broadcast %add3A_511 : i32 to vector<16xi32>
    %add3A_513 = arith.addi %add3A_512, %iota3A : vector<16xi32>
    %shift_right_arithmetic3A_514 = arith.constant 2 : i32
    %shift_right_arithmetic3A_515 = vector.broadcast %shift_right_arithmetic3A_514 : i32 to vector<16xi32>
    %shift_right_arithmetic3A_516 = arith.shrsi %add3A_513, %shift_right_arithmetic3A_515 : vector<16xi32>
    %and3A_517 = arith.constant 3 : i32
    %and3A_518 = vector.broadcast %and3A_517 : i32 to vector<16xi32>
    %and3A_519 = arith.andi %add3A_513, %and3A_518 : vector<16xi32>
    %eq3A_520 = arith.constant 0 : i32
    %eq3A_521 = vector.broadcast %eq3A_520 : i32 to vector<16xi32>
    %eq3A_522 = arith.cmpi eq, %and3A_519, %eq3A_521 : vector<16xi32>
    %eq3A_523 = arith.constant 1 : i32
    %eq3A_524 = vector.broadcast %eq3A_523 : i32 to vector<16xi32>
    %eq3A_525 = arith.cmpi eq, %and3A_519, %eq3A_524 : vector<16xi32>
    %add3A_526 = arith.addi %broadcast_in_dim3A_5, %shift_right_arithmetic3A_516 : vector<16xi32>
    %select_n3A_527 = arith.select %eq3A_525, %broadcast_in_dim3A_7, %add3A_526 : vector<16xi1>, vector<16xi32>
    %select_n3A_528 = arith.select %eq3A_522, %broadcast_in_dim3A, %select_n3A_527 : vector<16xi1>, vector<16xi32>
    %swap3A_529 = arith.constant 368 : index
    %swap3A_530 = tpu.vector_load %arg3[%swap3A_529] {strides = array<i32>} : memref<768xi32, #tpu.memory_space<vmem>>, vector<16xi32>,
    %swap3A_531 = vector.shape_cast %swap3A_530 : vector<16xi32> to vector<16xi32>
    %swap3A_532 = vector.shape_cast %select_n3A_528 : vector<16xi32> to vector<16xi32>
    tpu.vector_store %arg3[%swap3A_529], %swap3A_532 {strides = array<i32>} : memref<768xi32, #tpu.memory_space<vmem>>, vector<16xi32>,
    %add3A_533 = arith.constant 384 : i32
    %add3A_534 = vector.broadcast %add3A_533 : i32 to vector<16xi32>
    %add3A_535 = arith.addi %add3A_534, %iota3A : vector<16xi32>
    %shift_right_arithmetic3A_536 = arith.constant 2 : i32
    %shift_right_arithmetic3A_537 = vector.broadcast %shift_right_arithmetic3A_536 : i32 to vector<16xi32>
    %shift_right_arithmetic3A_538 = arith.shrsi %add3A_535, %shift_right_arithmetic3A_537 : vector<16xi32>
    %and3A_539 = arith.constant 3 : i32
    %and3A_540 = vector.broadcast %and3A_539 : i32 to vector<16xi32>
    %and3A_541 = arith.andi %add3A_535, %and3A_540 : vector<16xi32>
    %eq3A_542 = arith.constant 0 : i32
    %eq3A_543 = vector.broadcast %eq3A_542 : i32 to vector<16xi32>
    %eq3A_544 = arith.cmpi eq, %and3A_541, %eq3A_543 : vector<16xi32>
    %eq3A_545 = arith.constant 1 : i32
    %eq3A_546 = vector.broadcast %eq3A_545 : i32 to vector<16xi32>
    %eq3A_547 = arith.cmpi eq, %and3A_541, %eq3A_546 : vector<16xi32>
    %add3A_548 = arith.addi %broadcast_in_dim3A_5, %shift_right_arithmetic3A_538 : vector<16xi32>
    %select_n3A_549 = arith.select %eq3A_547, %broadcast_in_dim3A_7, %add3A_548 : vector<16xi1>, vector<16xi32>
    %select_n3A_550 = arith.select %eq3A_544, %broadcast_in_dim3A, %select_n3A_549 : vector<16xi1>, vector<16xi32>
    %swap3A_551 = arith.constant 384 : index
    %swap3A_552 = tpu.vector_load %arg3[%swap3A_551] {strides = array<i32>} : memref<768xi32, #tpu.memory_space<vmem>>, vector<16xi32>,
    %swap3A_553 = vector.shape_cast %swap3A_552 : vector<16xi32> to vector<16xi32>
    %swap3A_554 = vector.shape_cast %select_n3A_550 : vector<16xi32> to vector<16xi32>
    tpu.vector_store %arg3[%swap3A_551], %swap3A_554 {strides = array<i32>} : memref<768xi32, #tpu.memory_space<vmem>>, vector<16xi32>,
    %add3A_555 = arith.constant 400 : i32
    %add3A_556 = vector.broadcast %add3A_555 : i32 to vector<16xi32>
    %add3A_557 = arith.addi %add3A_556, %iota3A : vector<16xi32>
    %shift_right_arithmetic3A_558 = arith.constant 2 : i32
    %shift_right_arithmetic3A_559 = vector.broadcast %shift_right_arithmetic3A_558 : i32 to vector<16xi32>
    %shift_right_arithmetic3A_560 = arith.shrsi %add3A_557, %shift_right_arithmetic3A_559 : vector<16xi32>
    %and3A_561 = arith.constant 3 : i32
    %and3A_562 = vector.broadcast %and3A_561 : i32 to vector<16xi32>
    %and3A_563 = arith.andi %add3A_557, %and3A_562 : vector<16xi32>
    %eq3A_564 = arith.constant 0 : i32
    %eq3A_565 = vector.broadcast %eq3A_564 : i32 to vector<16xi32>
    %eq3A_566 = arith.cmpi eq, %and3A_563, %eq3A_565 : vector<16xi32>
    %eq3A_567 = arith.constant 1 : i32
    %eq3A_568 = vector.broadcast %eq3A_567 : i32 to vector<16xi32>
    %eq3A_569 = arith.cmpi eq, %and3A_563, %eq3A_568 : vector<16xi32>
    %add3A_570 = arith.addi %broadcast_in_dim3A_5, %shift_right_arithmetic3A_560 : vector<16xi32>
    %select_n3A_571 = arith.select %eq3A_569, %broadcast_in_dim3A_7, %add3A_570 : vector<16xi1>, vector<16xi32>
    %select_n3A_572 = arith.select %eq3A_566, %broadcast_in_dim3A, %select_n3A_571 : vector<16xi1>, vector<16xi32>
    %swap3A_573 = arith.constant 400 : index
    %swap3A_574 = tpu.vector_load %arg3[%swap3A_573] {strides = array<i32>} : memref<768xi32, #tpu.memory_space<vmem>>, vector<16xi32>,
    %swap3A_575 = vector.shape_cast %swap3A_574 : vector<16xi32> to vector<16xi32>
    %swap3A_576 = vector.shape_cast %select_n3A_572 : vector<16xi32> to vector<16xi32>
    tpu.vector_store %arg3[%swap3A_573], %swap3A_576 {strides = array<i32>} : memref<768xi32, #tpu.memory_space<vmem>>, vector<16xi32>,
    %add3A_577 = arith.constant 416 : i32
    %add3A_578 = vector.broadcast %add3A_577 : i32 to vector<16xi32>
    %add3A_579 = arith.addi %add3A_578, %iota3A : vector<16xi32>
    %shift_right_arithmetic3A_580 = arith.constant 2 : i32
    %shift_right_arithmetic3A_581 = vector.broadcast %shift_right_arithmetic3A_580 : i32 to vector<16xi32>
    %shift_right_arithmetic3A_582 = arith.shrsi %add3A_579, %shift_right_arithmetic3A_581 : vector<16xi32>
    %and3A_583 = arith.constant 3 : i32
    %and3A_584 = vector.broadcast %and3A_583 : i32 to vector<16xi32>
    %and3A_585 = arith.andi %add3A_579, %and3A_584 : vector<16xi32>
    %eq3A_586 = arith.constant 0 : i32
    %eq3A_587 = vector.broadcast %eq3A_586 : i32 to vector<16xi32>
    %eq3A_588 = arith.cmpi eq, %and3A_585, %eq3A_587 : vector<16xi32>
    %eq3A_589 = arith.constant 1 : i32
    %eq3A_590 = vector.broadcast %eq3A_589 : i32 to vector<16xi32>
    %eq3A_591 = arith.cmpi eq, %and3A_585, %eq3A_590 : vector<16xi32>
    %add3A_592 = arith.addi %broadcast_in_dim3A_5, %shift_right_arithmetic3A_582 : vector<16xi32>
    %select_n3A_593 = arith.select %eq3A_591, %broadcast_in_dim3A_7, %add3A_592 : vector<16xi1>, vector<16xi32>
    %select_n3A_594 = arith.select %eq3A_588, %broadcast_in_dim3A, %select_n3A_593 : vector<16xi1>, vector<16xi32>
    %swap3A_595 = arith.constant 416 : index
    %swap3A_596 = tpu.vector_load %arg3[%swap3A_595] {strides = array<i32>} : memref<768xi32, #tpu.memory_space<vmem>>, vector<16xi32>,
    %swap3A_597 = vector.shape_cast %swap3A_596 : vector<16xi32> to vector<16xi32>
    %swap3A_598 = vector.shape_cast %select_n3A_594 : vector<16xi32> to vector<16xi32>
    tpu.vector_store %arg3[%swap3A_595], %swap3A_598 {strides = array<i32>} : memref<768xi32, #tpu.memory_space<vmem>>, vector<16xi32>,
    %add3A_599 = arith.constant 432 : i32
    %add3A_600 = vector.broadcast %add3A_599 : i32 to vector<16xi32>
    %add3A_601 = arith.addi %add3A_600, %iota3A : vector<16xi32>
    %shift_right_arithmetic3A_602 = arith.constant 2 : i32
    %shift_right_arithmetic3A_603 = vector.broadcast %shift_right_arithmetic3A_602 : i32 to vector<16xi32>
    %shift_right_arithmetic3A_604 = arith.shrsi %add3A_601, %shift_right_arithmetic3A_603 : vector<16xi32>
    %and3A_605 = arith.constant 3 : i32
    %and3A_606 = vector.broadcast %and3A_605 : i32 to vector<16xi32>
    %and3A_607 = arith.andi %add3A_601, %and3A_606 : vector<16xi32>
    %eq3A_608 = arith.constant 0 : i32
    %eq3A_609 = vector.broadcast %eq3A_608 : i32 to vector<16xi32>
    %eq3A_610 = arith.cmpi eq, %and3A_607, %eq3A_609 : vector<16xi32>
    %eq3A_611 = arith.constant 1 : i32
    %eq3A_612 = vector.broadcast %eq3A_611 : i32 to vector<16xi32>
    %eq3A_613 = arith.cmpi eq, %and3A_607, %eq3A_612 : vector<16xi32>
    %add3A_614 = arith.addi %broadcast_in_dim3A_5, %shift_right_arithmetic3A_604 : vector<16xi32>
    %select_n3A_615 = arith.select %eq3A_613, %broadcast_in_dim3A_7, %add3A_614 : vector<16xi1>, vector<16xi32>
    %select_n3A_616 = arith.select %eq3A_610, %broadcast_in_dim3A, %select_n3A_615 : vector<16xi1>, vector<16xi32>
    %swap3A_617 = arith.constant 432 : index
    %swap3A_618 = tpu.vector_load %arg3[%swap3A_617] {strides = array<i32>} : memref<768xi32, #tpu.memory_space<vmem>>, vector<16xi32>,
    %swap3A_619 = vector.shape_cast %swap3A_618 : vector<16xi32> to vector<16xi32>
    %swap3A_620 = vector.shape_cast %select_n3A_616 : vector<16xi32> to vector<16xi32>
    tpu.vector_store %arg3[%swap3A_617], %swap3A_620 {strides = array<i32>} : memref<768xi32, #tpu.memory_space<vmem>>, vector<16xi32>,
    %add3A_621 = arith.constant 448 : i32
    %add3A_622 = vector.broadcast %add3A_621 : i32 to vector<16xi32>
    %add3A_623 = arith.addi %add3A_622, %iota3A : vector<16xi32>
    %shift_right_arithmetic3A_624 = arith.constant 2 : i32
    %shift_right_arithmetic3A_625 = vector.broadcast %shift_right_arithmetic3A_624 : i32 to vector<16xi32>
    %shift_right_arithmetic3A_626 = arith.shrsi %add3A_623, %shift_right_arithmetic3A_625 : vector<16xi32>
    %and3A_627 = arith.constant 3 : i32
    %and3A_628 = vector.broadcast %and3A_627 : i32 to vector<16xi32>
    %and3A_629 = arith.andi %add3A_623, %and3A_628 : vector<16xi32>
    %eq3A_630 = arith.constant 0 : i32
    %eq3A_631 = vector.broadcast %eq3A_630 : i32 to vector<16xi32>
    %eq3A_632 = arith.cmpi eq, %and3A_629, %eq3A_631 : vector<16xi32>
    %eq3A_633 = arith.constant 1 : i32
    %eq3A_634 = vector.broadcast %eq3A_633 : i32 to vector<16xi32>
    %eq3A_635 = arith.cmpi eq, %and3A_629, %eq3A_634 : vector<16xi32>
    %add3A_636 = arith.addi %broadcast_in_dim3A_5, %shift_right_arithmetic3A_626 : vector<16xi32>
    %select_n3A_637 = arith.select %eq3A_635, %broadcast_in_dim3A_7, %add3A_636 : vector<16xi1>, vector<16xi32>
    %select_n3A_638 = arith.select %eq3A_632, %broadcast_in_dim3A, %select_n3A_637 : vector<16xi1>, vector<16xi32>
    %swap3A_639 = arith.constant 448 : index
    %swap3A_640 = tpu.vector_load %arg3[%swap3A_639] {strides = array<i32>} : memref<768xi32, #tpu.memory_space<vmem>>, vector<16xi32>,
    %swap3A_641 = vector.shape_cast %swap3A_640 : vector<16xi32> to vector<16xi32>
    %swap3A_642 = vector.shape_cast %select_n3A_638 : vector<16xi32> to vector<16xi32>
    tpu.vector_store %arg3[%swap3A_639], %swap3A_642 {strides = array<i32>} : memref<768xi32, #tpu.memory_space<vmem>>, vector<16xi32>,
    %add3A_643 = arith.constant 464 : i32
    %add3A_644 = vector.broadcast %add3A_643 : i32 to vector<16xi32>
    %add3A_645 = arith.addi %add3A_644, %iota3A : vector<16xi32>
    %shift_right_arithmetic3A_646 = arith.constant 2 : i32
    %shift_right_arithmetic3A_647 = vector.broadcast %shift_right_arithmetic3A_646 : i32 to vector<16xi32>
    %shift_right_arithmetic3A_648 = arith.shrsi %add3A_645, %shift_right_arithmetic3A_647 : vector<16xi32>
    %and3A_649 = arith.constant 3 : i32
    %and3A_650 = vector.broadcast %and3A_649 : i32 to vector<16xi32>
    %and3A_651 = arith.andi %add3A_645, %and3A_650 : vector<16xi32>
    %eq3A_652 = arith.constant 0 : i32
    %eq3A_653 = vector.broadcast %eq3A_652 : i32 to vector<16xi32>
    %eq3A_654 = arith.cmpi eq, %and3A_651, %eq3A_653 : vector<16xi32>
    %eq3A_655 = arith.constant 1 : i32
    %eq3A_656 = vector.broadcast %eq3A_655 : i32 to vector<16xi32>
    %eq3A_657 = arith.cmpi eq, %and3A_651, %eq3A_656 : vector<16xi32>
    %add3A_658 = arith.addi %broadcast_in_dim3A_5, %shift_right_arithmetic3A_648 : vector<16xi32>
    %select_n3A_659 = arith.select %eq3A_657, %broadcast_in_dim3A_7, %add3A_658 : vector<16xi1>, vector<16xi32>
    %select_n3A_660 = arith.select %eq3A_654, %broadcast_in_dim3A, %select_n3A_659 : vector<16xi1>, vector<16xi32>
    %swap3A_661 = arith.constant 464 : index
    %swap3A_662 = tpu.vector_load %arg3[%swap3A_661] {strides = array<i32>} : memref<768xi32, #tpu.memory_space<vmem>>, vector<16xi32>,
    %swap3A_663 = vector.shape_cast %swap3A_662 : vector<16xi32> to vector<16xi32>
    %swap3A_664 = vector.shape_cast %select_n3A_660 : vector<16xi32> to vector<16xi32>
    tpu.vector_store %arg3[%swap3A_661], %swap3A_664 {strides = array<i32>} : memref<768xi32, #tpu.memory_space<vmem>>, vector<16xi32>,
    %add3A_665 = arith.constant 480 : i32
    %add3A_666 = vector.broadcast %add3A_665 : i32 to vector<16xi32>
    %add3A_667 = arith.addi %add3A_666, %iota3A : vector<16xi32>
    %shift_right_arithmetic3A_668 = arith.constant 2 : i32
    %shift_right_arithmetic3A_669 = vector.broadcast %shift_right_arithmetic3A_668 : i32 to vector<16xi32>
    %shift_right_arithmetic3A_670 = arith.shrsi %add3A_667, %shift_right_arithmetic3A_669 : vector<16xi32>
    %and3A_671 = arith.constant 3 : i32
    %and3A_672 = vector.broadcast %and3A_671 : i32 to vector<16xi32>
    %and3A_673 = arith.andi %add3A_667, %and3A_672 : vector<16xi32>
    %eq3A_674 = arith.constant 0 : i32
    %eq3A_675 = vector.broadcast %eq3A_674 : i32 to vector<16xi32>
    %eq3A_676 = arith.cmpi eq, %and3A_673, %eq3A_675 : vector<16xi32>
    %eq3A_677 = arith.constant 1 : i32
    %eq3A_678 = vector.broadcast %eq3A_677 : i32 to vector<16xi32>
    %eq3A_679 = arith.cmpi eq, %and3A_673, %eq3A_678 : vector<16xi32>
    %add3A_680 = arith.addi %broadcast_in_dim3A_5, %shift_right_arithmetic3A_670 : vector<16xi32>
    %select_n3A_681 = arith.select %eq3A_679, %broadcast_in_dim3A_7, %add3A_680 : vector<16xi1>, vector<16xi32>
    %select_n3A_682 = arith.select %eq3A_676, %broadcast_in_dim3A, %select_n3A_681 : vector<16xi1>, vector<16xi32>
    %swap3A_683 = arith.constant 480 : index
    %swap3A_684 = tpu.vector_load %arg3[%swap3A_683] {strides = array<i32>} : memref<768xi32, #tpu.memory_space<vmem>>, vector<16xi32>,
    %swap3A_685 = vector.shape_cast %swap3A_684 : vector<16xi32> to vector<16xi32>
    %swap3A_686 = vector.shape_cast %select_n3A_682 : vector<16xi32> to vector<16xi32>
    tpu.vector_store %arg3[%swap3A_683], %swap3A_686 {strides = array<i32>} : memref<768xi32, #tpu.memory_space<vmem>>, vector<16xi32>,
    %add3A_687 = arith.constant 496 : i32
    %add3A_688 = vector.broadcast %add3A_687 : i32 to vector<16xi32>
    %add3A_689 = arith.addi %add3A_688, %iota3A : vector<16xi32>
    %shift_right_arithmetic3A_690 = arith.constant 2 : i32
    %shift_right_arithmetic3A_691 = vector.broadcast %shift_right_arithmetic3A_690 : i32 to vector<16xi32>
    %shift_right_arithmetic3A_692 = arith.shrsi %add3A_689, %shift_right_arithmetic3A_691 : vector<16xi32>
    %and3A_693 = arith.constant 3 : i32
    %and3A_694 = vector.broadcast %and3A_693 : i32 to vector<16xi32>
    %and3A_695 = arith.andi %add3A_689, %and3A_694 : vector<16xi32>
    %eq3A_696 = arith.constant 0 : i32
    %eq3A_697 = vector.broadcast %eq3A_696 : i32 to vector<16xi32>
    %eq3A_698 = arith.cmpi eq, %and3A_695, %eq3A_697 : vector<16xi32>
    %eq3A_699 = arith.constant 1 : i32
    %eq3A_700 = vector.broadcast %eq3A_699 : i32 to vector<16xi32>
    %eq3A_701 = arith.cmpi eq, %and3A_695, %eq3A_700 : vector<16xi32>
    %add3A_702 = arith.addi %broadcast_in_dim3A_5, %shift_right_arithmetic3A_692 : vector<16xi32>
    %select_n3A_703 = arith.select %eq3A_701, %broadcast_in_dim3A_7, %add3A_702 : vector<16xi1>, vector<16xi32>
    %select_n3A_704 = arith.select %eq3A_698, %broadcast_in_dim3A, %select_n3A_703 : vector<16xi1>, vector<16xi32>
    %swap3A_705 = arith.constant 496 : index
    %swap3A_706 = tpu.vector_load %arg3[%swap3A_705] {strides = array<i32>} : memref<768xi32, #tpu.memory_space<vmem>>, vector<16xi32>,
    %swap3A_707 = vector.shape_cast %swap3A_706 : vector<16xi32> to vector<16xi32>
    %swap3A_708 = vector.shape_cast %select_n3A_704 : vector<16xi32> to vector<16xi32>
    tpu.vector_store %arg3[%swap3A_705], %swap3A_708 {strides = array<i32>} : memref<768xi32, #tpu.memory_space<vmem>>, vector<16xi32>,
    %add3A_709 = arith.constant 512 : i32
    %add3A_710 = vector.broadcast %add3A_709 : i32 to vector<16xi32>
    %add3A_711 = arith.addi %add3A_710, %iota3A : vector<16xi32>
    %shift_right_arithmetic3A_712 = arith.constant 2 : i32
    %shift_right_arithmetic3A_713 = vector.broadcast %shift_right_arithmetic3A_712 : i32 to vector<16xi32>
    %shift_right_arithmetic3A_714 = arith.shrsi %add3A_711, %shift_right_arithmetic3A_713 : vector<16xi32>
    %and3A_715 = arith.constant 3 : i32
    %and3A_716 = vector.broadcast %and3A_715 : i32 to vector<16xi32>
    %and3A_717 = arith.andi %add3A_711, %and3A_716 : vector<16xi32>
    %eq3A_718 = arith.constant 0 : i32
    %eq3A_719 = vector.broadcast %eq3A_718 : i32 to vector<16xi32>
    %eq3A_720 = arith.cmpi eq, %and3A_717, %eq3A_719 : vector<16xi32>
    %eq3A_721 = arith.constant 1 : i32
    %eq3A_722 = vector.broadcast %eq3A_721 : i32 to vector<16xi32>
    %eq3A_723 = arith.cmpi eq, %and3A_717, %eq3A_722 : vector<16xi32>
    %add3A_724 = arith.addi %broadcast_in_dim3A_5, %shift_right_arithmetic3A_714 : vector<16xi32>
    %select_n3A_725 = arith.select %eq3A_723, %broadcast_in_dim3A_7, %add3A_724 : vector<16xi1>, vector<16xi32>
    %select_n3A_726 = arith.select %eq3A_720, %broadcast_in_dim3A, %select_n3A_725 : vector<16xi1>, vector<16xi32>
    %swap3A_727 = arith.constant 512 : index
    %swap3A_728 = tpu.vector_load %arg3[%swap3A_727] {strides = array<i32>} : memref<768xi32, #tpu.memory_space<vmem>>, vector<16xi32>,
    %swap3A_729 = vector.shape_cast %swap3A_728 : vector<16xi32> to vector<16xi32>
    %swap3A_730 = vector.shape_cast %select_n3A_726 : vector<16xi32> to vector<16xi32>
    tpu.vector_store %arg3[%swap3A_727], %swap3A_730 {strides = array<i32>} : memref<768xi32, #tpu.memory_space<vmem>>, vector<16xi32>,
    %add3A_731 = arith.constant 528 : i32
    %add3A_732 = vector.broadcast %add3A_731 : i32 to vector<16xi32>
    %add3A_733 = arith.addi %add3A_732, %iota3A : vector<16xi32>
    %shift_right_arithmetic3A_734 = arith.constant 2 : i32
    %shift_right_arithmetic3A_735 = vector.broadcast %shift_right_arithmetic3A_734 : i32 to vector<16xi32>
    %shift_right_arithmetic3A_736 = arith.shrsi %add3A_733, %shift_right_arithmetic3A_735 : vector<16xi32>
    %and3A_737 = arith.constant 3 : i32
    %and3A_738 = vector.broadcast %and3A_737 : i32 to vector<16xi32>
    %and3A_739 = arith.andi %add3A_733, %and3A_738 : vector<16xi32>
    %eq3A_740 = arith.constant 0 : i32
    %eq3A_741 = vector.broadcast %eq3A_740 : i32 to vector<16xi32>
    %eq3A_742 = arith.cmpi eq, %and3A_739, %eq3A_741 : vector<16xi32>
    %eq3A_743 = arith.constant 1 : i32
    %eq3A_744 = vector.broadcast %eq3A_743 : i32 to vector<16xi32>
    %eq3A_745 = arith.cmpi eq, %and3A_739, %eq3A_744 : vector<16xi32>
    %add3A_746 = arith.addi %broadcast_in_dim3A_5, %shift_right_arithmetic3A_736 : vector<16xi32>
    %select_n3A_747 = arith.select %eq3A_745, %broadcast_in_dim3A_7, %add3A_746 : vector<16xi1>, vector<16xi32>
    %select_n3A_748 = arith.select %eq3A_742, %broadcast_in_dim3A, %select_n3A_747 : vector<16xi1>, vector<16xi32>
    %swap3A_749 = arith.constant 528 : index
    %swap3A_750 = tpu.vector_load %arg3[%swap3A_749] {strides = array<i32>} : memref<768xi32, #tpu.memory_space<vmem>>, vector<16xi32>,
    %swap3A_751 = vector.shape_cast %swap3A_750 : vector<16xi32> to vector<16xi32>
    %swap3A_752 = vector.shape_cast %select_n3A_748 : vector<16xi32> to vector<16xi32>
    tpu.vector_store %arg3[%swap3A_749], %swap3A_752 {strides = array<i32>} : memref<768xi32, #tpu.memory_space<vmem>>, vector<16xi32>,
    %add3A_753 = arith.constant 544 : i32
    %add3A_754 = vector.broadcast %add3A_753 : i32 to vector<16xi32>
    %add3A_755 = arith.addi %add3A_754, %iota3A : vector<16xi32>
    %shift_right_arithmetic3A_756 = arith.constant 2 : i32
    %shift_right_arithmetic3A_757 = vector.broadcast %shift_right_arithmetic3A_756 : i32 to vector<16xi32>
    %shift_right_arithmetic3A_758 = arith.shrsi %add3A_755, %shift_right_arithmetic3A_757 : vector<16xi32>
    %and3A_759 = arith.constant 3 : i32
    %and3A_760 = vector.broadcast %and3A_759 : i32 to vector<16xi32>
    %and3A_761 = arith.andi %add3A_755, %and3A_760 : vector<16xi32>
    %eq3A_762 = arith.constant 0 : i32
    %eq3A_763 = vector.broadcast %eq3A_762 : i32 to vector<16xi32>
    %eq3A_764 = arith.cmpi eq, %and3A_761, %eq3A_763 : vector<16xi32>
    %eq3A_765 = arith.constant 1 : i32
    %eq3A_766 = vector.broadcast %eq3A_765 : i32 to vector<16xi32>
    %eq3A_767 = arith.cmpi eq, %and3A_761, %eq3A_766 : vector<16xi32>
    %add3A_768 = arith.addi %broadcast_in_dim3A_5, %shift_right_arithmetic3A_758 : vector<16xi32>
    %select_n3A_769 = arith.select %eq3A_767, %broadcast_in_dim3A_7, %add3A_768 : vector<16xi1>, vector<16xi32>
    %select_n3A_770 = arith.select %eq3A_764, %broadcast_in_dim3A, %select_n3A_769 : vector<16xi1>, vector<16xi32>
    %swap3A_771 = arith.constant 544 : index
    %swap3A_772 = tpu.vector_load %arg3[%swap3A_771] {strides = array<i32>} : memref<768xi32, #tpu.memory_space<vmem>>, vector<16xi32>,
    %swap3A_773 = vector.shape_cast %swap3A_772 : vector<16xi32> to vector<16xi32>
    %swap3A_774 = vector.shape_cast %select_n3A_770 : vector<16xi32> to vector<16xi32>
    tpu.vector_store %arg3[%swap3A_771], %swap3A_774 {strides = array<i32>} : memref<768xi32, #tpu.memory_space<vmem>>, vector<16xi32>,
    %add3A_775 = arith.constant 560 : i32
    %add3A_776 = vector.broadcast %add3A_775 : i32 to vector<16xi32>
    %add3A_777 = arith.addi %add3A_776, %iota3A : vector<16xi32>
    %shift_right_arithmetic3A_778 = arith.constant 2 : i32
    %shift_right_arithmetic3A_779 = vector.broadcast %shift_right_arithmetic3A_778 : i32 to vector<16xi32>
    %shift_right_arithmetic3A_780 = arith.shrsi %add3A_777, %shift_right_arithmetic3A_779 : vector<16xi32>
    %and3A_781 = arith.constant 3 : i32
    %and3A_782 = vector.broadcast %and3A_781 : i32 to vector<16xi32>
    %and3A_783 = arith.andi %add3A_777, %and3A_782 : vector<16xi32>
    %eq3A_784 = arith.constant 0 : i32
    %eq3A_785 = vector.broadcast %eq3A_784 : i32 to vector<16xi32>
    %eq3A_786 = arith.cmpi eq, %and3A_783, %eq3A_785 : vector<16xi32>
    %eq3A_787 = arith.constant 1 : i32
    %eq3A_788 = vector.broadcast %eq3A_787 : i32 to vector<16xi32>
    %eq3A_789 = arith.cmpi eq, %and3A_783, %eq3A_788 : vector<16xi32>
    %add3A_790 = arith.addi %broadcast_in_dim3A_5, %shift_right_arithmetic3A_780 : vector<16xi32>
    %select_n3A_791 = arith.select %eq3A_789, %broadcast_in_dim3A_7, %add3A_790 : vector<16xi1>, vector<16xi32>
    %select_n3A_792 = arith.select %eq3A_786, %broadcast_in_dim3A, %select_n3A_791 : vector<16xi1>, vector<16xi32>
    %swap3A_793 = arith.constant 560 : index
    %swap3A_794 = tpu.vector_load %arg3[%swap3A_793] {strides = array<i32>} : memref<768xi32, #tpu.memory_space<vmem>>, vector<16xi32>,
    %swap3A_795 = vector.shape_cast %swap3A_794 : vector<16xi32> to vector<16xi32>
    %swap3A_796 = vector.shape_cast %select_n3A_792 : vector<16xi32> to vector<16xi32>
    tpu.vector_store %arg3[%swap3A_793], %swap3A_796 {strides = array<i32>} : memref<768xi32, #tpu.memory_space<vmem>>, vector<16xi32>,
    %add3A_797 = arith.constant 576 : i32
    %add3A_798 = vector.broadcast %add3A_797 : i32 to vector<16xi32>
    %add3A_799 = arith.addi %add3A_798, %iota3A : vector<16xi32>
    %shift_right_arithmetic3A_800 = arith.constant 2 : i32
    %shift_right_arithmetic3A_801 = vector.broadcast %shift_right_arithmetic3A_800 : i32 to vector<16xi32>
    %shift_right_arithmetic3A_802 = arith.shrsi %add3A_799, %shift_right_arithmetic3A_801 : vector<16xi32>
    %and3A_803 = arith.constant 3 : i32
    %and3A_804 = vector.broadcast %and3A_803 : i32 to vector<16xi32>
    %and3A_805 = arith.andi %add3A_799, %and3A_804 : vector<16xi32>
    %eq3A_806 = arith.constant 0 : i32
    %eq3A_807 = vector.broadcast %eq3A_806 : i32 to vector<16xi32>
    %eq3A_808 = arith.cmpi eq, %and3A_805, %eq3A_807 : vector<16xi32>
    %eq3A_809 = arith.constant 1 : i32
    %eq3A_810 = vector.broadcast %eq3A_809 : i32 to vector<16xi32>
    %eq3A_811 = arith.cmpi eq, %and3A_805, %eq3A_810 : vector<16xi32>
    %add3A_812 = arith.addi %broadcast_in_dim3A_5, %shift_right_arithmetic3A_802 : vector<16xi32>
    %select_n3A_813 = arith.select %eq3A_811, %broadcast_in_dim3A_7, %add3A_812 : vector<16xi1>, vector<16xi32>
    %select_n3A_814 = arith.select %eq3A_808, %broadcast_in_dim3A, %select_n3A_813 : vector<16xi1>, vector<16xi32>
    %swap3A_815 = arith.constant 576 : index
    %swap3A_816 = tpu.vector_load %arg3[%swap3A_815] {strides = array<i32>} : memref<768xi32, #tpu.memory_space<vmem>>, vector<16xi32>,
    %swap3A_817 = vector.shape_cast %swap3A_816 : vector<16xi32> to vector<16xi32>
    %swap3A_818 = vector.shape_cast %select_n3A_814 : vector<16xi32> to vector<16xi32>
    tpu.vector_store %arg3[%swap3A_815], %swap3A_818 {strides = array<i32>} : memref<768xi32, #tpu.memory_space<vmem>>, vector<16xi32>,
    %add3A_819 = arith.constant 592 : i32
    %add3A_820 = vector.broadcast %add3A_819 : i32 to vector<16xi32>
    %add3A_821 = arith.addi %add3A_820, %iota3A : vector<16xi32>
    %shift_right_arithmetic3A_822 = arith.constant 2 : i32
    %shift_right_arithmetic3A_823 = vector.broadcast %shift_right_arithmetic3A_822 : i32 to vector<16xi32>
    %shift_right_arithmetic3A_824 = arith.shrsi %add3A_821, %shift_right_arithmetic3A_823 : vector<16xi32>
    %and3A_825 = arith.constant 3 : i32
    %and3A_826 = vector.broadcast %and3A_825 : i32 to vector<16xi32>
    %and3A_827 = arith.andi %add3A_821, %and3A_826 : vector<16xi32>
    %eq3A_828 = arith.constant 0 : i32
    %eq3A_829 = vector.broadcast %eq3A_828 : i32 to vector<16xi32>
    %eq3A_830 = arith.cmpi eq, %and3A_827, %eq3A_829 : vector<16xi32>
    %eq3A_831 = arith.constant 1 : i32
    %eq3A_832 = vector.broadcast %eq3A_831 : i32 to vector<16xi32>
    %eq3A_833 = arith.cmpi eq, %and3A_827, %eq3A_832 : vector<16xi32>
    %add3A_834 = arith.addi %broadcast_in_dim3A_5, %shift_right_arithmetic3A_824 : vector<16xi32>
    %select_n3A_835 = arith.select %eq3A_833, %broadcast_in_dim3A_7, %add3A_834 : vector<16xi1>, vector<16xi32>
    %select_n3A_836 = arith.select %eq3A_830, %broadcast_in_dim3A, %select_n3A_835 : vector<16xi1>, vector<16xi32>
    %swap3A_837 = arith.constant 592 : index
    %swap3A_838 = tpu.vector_load %arg3[%swap3A_837] {strides = array<i32>} : memref<768xi32, #tpu.memory_space<vmem>>, vector<16xi32>,
    %swap3A_839 = vector.shape_cast %swap3A_838 : vector<16xi32> to vector<16xi32>
    %swap3A_840 = vector.shape_cast %select_n3A_836 : vector<16xi32> to vector<16xi32>
    tpu.vector_store %arg3[%swap3A_837], %swap3A_840 {strides = array<i32>} : memref<768xi32, #tpu.memory_space<vmem>>, vector<16xi32>,
    %add3A_841 = arith.constant 608 : i32
    %add3A_842 = vector.broadcast %add3A_841 : i32 to vector<16xi32>
    %add3A_843 = arith.addi %add3A_842, %iota3A : vector<16xi32>
    %shift_right_arithmetic3A_844 = arith.constant 2 : i32
    %shift_right_arithmetic3A_845 = vector.broadcast %shift_right_arithmetic3A_844 : i32 to vector<16xi32>
    %shift_right_arithmetic3A_846 = arith.shrsi %add3A_843, %shift_right_arithmetic3A_845 : vector<16xi32>
    %and3A_847 = arith.constant 3 : i32
    %and3A_848 = vector.broadcast %and3A_847 : i32 to vector<16xi32>
    %and3A_849 = arith.andi %add3A_843, %and3A_848 : vector<16xi32>
    %eq3A_850 = arith.constant 0 : i32
    %eq3A_851 = vector.broadcast %eq3A_850 : i32 to vector<16xi32>
    %eq3A_852 = arith.cmpi eq, %and3A_849, %eq3A_851 : vector<16xi32>
    %eq3A_853 = arith.constant 1 : i32
    %eq3A_854 = vector.broadcast %eq3A_853 : i32 to vector<16xi32>
    %eq3A_855 = arith.cmpi eq, %and3A_849, %eq3A_854 : vector<16xi32>
    %add3A_856 = arith.addi %broadcast_in_dim3A_5, %shift_right_arithmetic3A_846 : vector<16xi32>
    %select_n3A_857 = arith.select %eq3A_855, %broadcast_in_dim3A_7, %add3A_856 : vector<16xi1>, vector<16xi32>
    %select_n3A_858 = arith.select %eq3A_852, %broadcast_in_dim3A, %select_n3A_857 : vector<16xi1>, vector<16xi32>
    %swap3A_859 = arith.constant 608 : index
    %swap3A_860 = tpu.vector_load %arg3[%swap3A_859] {strides = array<i32>} : memref<768xi32, #tpu.memory_space<vmem>>, vector<16xi32>,
    %swap3A_861 = vector.shape_cast %swap3A_860 : vector<16xi32> to vector<16xi32>
    %swap3A_862 = vector.shape_cast %select_n3A_858 : vector<16xi32> to vector<16xi32>
    tpu.vector_store %arg3[%swap3A_859], %swap3A_862 {strides = array<i32>} : memref<768xi32, #tpu.memory_space<vmem>>, vector<16xi32>,
    %add3A_863 = arith.constant 624 : i32
    %add3A_864 = vector.broadcast %add3A_863 : i32 to vector<16xi32>
    %add3A_865 = arith.addi %add3A_864, %iota3A : vector<16xi32>
    %shift_right_arithmetic3A_866 = arith.constant 2 : i32
    %shift_right_arithmetic3A_867 = vector.broadcast %shift_right_arithmetic3A_866 : i32 to vector<16xi32>
    %shift_right_arithmetic3A_868 = arith.shrsi %add3A_865, %shift_right_arithmetic3A_867 : vector<16xi32>
    %and3A_869 = arith.constant 3 : i32
    %and3A_870 = vector.broadcast %and3A_869 : i32 to vector<16xi32>
    %and3A_871 = arith.andi %add3A_865, %and3A_870 : vector<16xi32>
    %eq3A_872 = arith.constant 0 : i32
    %eq3A_873 = vector.broadcast %eq3A_872 : i32 to vector<16xi32>
    %eq3A_874 = arith.cmpi eq, %and3A_871, %eq3A_873 : vector<16xi32>
    %eq3A_875 = arith.constant 1 : i32
    %eq3A_876 = vector.broadcast %eq3A_875 : i32 to vector<16xi32>
    %eq3A_877 = arith.cmpi eq, %and3A_871, %eq3A_876 : vector<16xi32>
    %add3A_878 = arith.addi %broadcast_in_dim3A_5, %shift_right_arithmetic3A_868 : vector<16xi32>
    %select_n3A_879 = arith.select %eq3A_877, %broadcast_in_dim3A_7, %add3A_878 : vector<16xi1>, vector<16xi32>
    %select_n3A_880 = arith.select %eq3A_874, %broadcast_in_dim3A, %select_n3A_879 : vector<16xi1>, vector<16xi32>
    %swap3A_881 = arith.constant 624 : index
    %swap3A_882 = tpu.vector_load %arg3[%swap3A_881] {strides = array<i32>} : memref<768xi32, #tpu.memory_space<vmem>>, vector<16xi32>,
    %swap3A_883 = vector.shape_cast %swap3A_882 : vector<16xi32> to vector<16xi32>
    %swap3A_884 = vector.shape_cast %select_n3A_880 : vector<16xi32> to vector<16xi32>
    tpu.vector_store %arg3[%swap3A_881], %swap3A_884 {strides = array<i32>} : memref<768xi32, #tpu.memory_space<vmem>>, vector<16xi32>,
    %add3A_885 = arith.constant 640 : i32
    %add3A_886 = vector.broadcast %add3A_885 : i32 to vector<16xi32>
    %add3A_887 = arith.addi %add3A_886, %iota3A : vector<16xi32>
    %shift_right_arithmetic3A_888 = arith.constant 2 : i32
    %shift_right_arithmetic3A_889 = vector.broadcast %shift_right_arithmetic3A_888 : i32 to vector<16xi32>
    %shift_right_arithmetic3A_890 = arith.shrsi %add3A_887, %shift_right_arithmetic3A_889 : vector<16xi32>
    %and3A_891 = arith.constant 3 : i32
    %and3A_892 = vector.broadcast %and3A_891 : i32 to vector<16xi32>
    %and3A_893 = arith.andi %add3A_887, %and3A_892 : vector<16xi32>
    %eq3A_894 = arith.constant 0 : i32
    %eq3A_895 = vector.broadcast %eq3A_894 : i32 to vector<16xi32>
    %eq3A_896 = arith.cmpi eq, %and3A_893, %eq3A_895 : vector<16xi32>
    %eq3A_897 = arith.constant 1 : i32
    %eq3A_898 = vector.broadcast %eq3A_897 : i32 to vector<16xi32>
    %eq3A_899 = arith.cmpi eq, %and3A_893, %eq3A_898 : vector<16xi32>
    %add3A_900 = arith.addi %broadcast_in_dim3A_5, %shift_right_arithmetic3A_890 : vector<16xi32>
    %select_n3A_901 = arith.select %eq3A_899, %broadcast_in_dim3A_7, %add3A_900 : vector<16xi1>, vector<16xi32>
    %select_n3A_902 = arith.select %eq3A_896, %broadcast_in_dim3A, %select_n3A_901 : vector<16xi1>, vector<16xi32>
    %swap3A_903 = arith.constant 640 : index
    %swap3A_904 = tpu.vector_load %arg3[%swap3A_903] {strides = array<i32>} : memref<768xi32, #tpu.memory_space<vmem>>, vector<16xi32>,
    %swap3A_905 = vector.shape_cast %swap3A_904 : vector<16xi32> to vector<16xi32>
    %swap3A_906 = vector.shape_cast %select_n3A_902 : vector<16xi32> to vector<16xi32>
    tpu.vector_store %arg3[%swap3A_903], %swap3A_906 {strides = array<i32>} : memref<768xi32, #tpu.memory_space<vmem>>, vector<16xi32>,
    %add3A_907 = arith.constant 656 : i32
    %add3A_908 = vector.broadcast %add3A_907 : i32 to vector<16xi32>
    %add3A_909 = arith.addi %add3A_908, %iota3A : vector<16xi32>
    %shift_right_arithmetic3A_910 = arith.constant 2 : i32
    %shift_right_arithmetic3A_911 = vector.broadcast %shift_right_arithmetic3A_910 : i32 to vector<16xi32>
    %shift_right_arithmetic3A_912 = arith.shrsi %add3A_909, %shift_right_arithmetic3A_911 : vector<16xi32>
    %and3A_913 = arith.constant 3 : i32
    %and3A_914 = vector.broadcast %and3A_913 : i32 to vector<16xi32>
    %and3A_915 = arith.andi %add3A_909, %and3A_914 : vector<16xi32>
    %eq3A_916 = arith.constant 0 : i32
    %eq3A_917 = vector.broadcast %eq3A_916 : i32 to vector<16xi32>
    %eq3A_918 = arith.cmpi eq, %and3A_915, %eq3A_917 : vector<16xi32>
    %eq3A_919 = arith.constant 1 : i32
    %eq3A_920 = vector.broadcast %eq3A_919 : i32 to vector<16xi32>
    %eq3A_921 = arith.cmpi eq, %and3A_915, %eq3A_920 : vector<16xi32>
    %add3A_922 = arith.addi %broadcast_in_dim3A_5, %shift_right_arithmetic3A_912 : vector<16xi32>
    %select_n3A_923 = arith.select %eq3A_921, %broadcast_in_dim3A_7, %add3A_922 : vector<16xi1>, vector<16xi32>
    %select_n3A_924 = arith.select %eq3A_918, %broadcast_in_dim3A, %select_n3A_923 : vector<16xi1>, vector<16xi32>
    %swap3A_925 = arith.constant 656 : index
    %swap3A_926 = tpu.vector_load %arg3[%swap3A_925] {strides = array<i32>} : memref<768xi32, #tpu.memory_space<vmem>>, vector<16xi32>,
    %swap3A_927 = vector.shape_cast %swap3A_926 : vector<16xi32> to vector<16xi32>
    %swap3A_928 = vector.shape_cast %select_n3A_924 : vector<16xi32> to vector<16xi32>
    tpu.vector_store %arg3[%swap3A_925], %swap3A_928 {strides = array<i32>} : memref<768xi32, #tpu.memory_space<vmem>>, vector<16xi32>,
    %add3A_929 = arith.constant 672 : i32
    %add3A_930 = vector.broadcast %add3A_929 : i32 to vector<16xi32>
    %add3A_931 = arith.addi %add3A_930, %iota3A : vector<16xi32>
    %shift_right_arithmetic3A_932 = arith.constant 2 : i32
    %shift_right_arithmetic3A_933 = vector.broadcast %shift_right_arithmetic3A_932 : i32 to vector<16xi32>
    %shift_right_arithmetic3A_934 = arith.shrsi %add3A_931, %shift_right_arithmetic3A_933 : vector<16xi32>
    %and3A_935 = arith.constant 3 : i32
    %and3A_936 = vector.broadcast %and3A_935 : i32 to vector<16xi32>
    %and3A_937 = arith.andi %add3A_931, %and3A_936 : vector<16xi32>
    %eq3A_938 = arith.constant 0 : i32
    %eq3A_939 = vector.broadcast %eq3A_938 : i32 to vector<16xi32>
    %eq3A_940 = arith.cmpi eq, %and3A_937, %eq3A_939 : vector<16xi32>
    %eq3A_941 = arith.constant 1 : i32
    %eq3A_942 = vector.broadcast %eq3A_941 : i32 to vector<16xi32>
    %eq3A_943 = arith.cmpi eq, %and3A_937, %eq3A_942 : vector<16xi32>
    %add3A_944 = arith.addi %broadcast_in_dim3A_5, %shift_right_arithmetic3A_934 : vector<16xi32>
    %select_n3A_945 = arith.select %eq3A_943, %broadcast_in_dim3A_7, %add3A_944 : vector<16xi1>, vector<16xi32>
    %select_n3A_946 = arith.select %eq3A_940, %broadcast_in_dim3A, %select_n3A_945 : vector<16xi1>, vector<16xi32>
    %swap3A_947 = arith.constant 672 : index
    %swap3A_948 = tpu.vector_load %arg3[%swap3A_947] {strides = array<i32>} : memref<768xi32, #tpu.memory_space<vmem>>, vector<16xi32>,
    %swap3A_949 = vector.shape_cast %swap3A_948 : vector<16xi32> to vector<16xi32>
    %swap3A_950 = vector.shape_cast %select_n3A_946 : vector<16xi32> to vector<16xi32>
    tpu.vector_store %arg3[%swap3A_947], %swap3A_950 {strides = array<i32>} : memref<768xi32, #tpu.memory_space<vmem>>, vector<16xi32>,
    %add3A_951 = arith.constant 688 : i32
    %add3A_952 = vector.broadcast %add3A_951 : i32 to vector<16xi32>
    %add3A_953 = arith.addi %add3A_952, %iota3A : vector<16xi32>
    %shift_right_arithmetic3A_954 = arith.constant 2 : i32
    %shift_right_arithmetic3A_955 = vector.broadcast %shift_right_arithmetic3A_954 : i32 to vector<16xi32>
    %shift_right_arithmetic3A_956 = arith.shrsi %add3A_953, %shift_right_arithmetic3A_955 : vector<16xi32>
    %and3A_957 = arith.constant 3 : i32
    %and3A_958 = vector.broadcast %and3A_957 : i32 to vector<16xi32>
    %and3A_959 = arith.andi %add3A_953, %and3A_958 : vector<16xi32>
    %eq3A_960 = arith.constant 0 : i32
    %eq3A_961 = vector.broadcast %eq3A_960 : i32 to vector<16xi32>
    %eq3A_962 = arith.cmpi eq, %and3A_959, %eq3A_961 : vector<16xi32>
    %eq3A_963 = arith.constant 1 : i32
    %eq3A_964 = vector.broadcast %eq3A_963 : i32 to vector<16xi32>
    %eq3A_965 = arith.cmpi eq, %and3A_959, %eq3A_964 : vector<16xi32>
    %add3A_966 = arith.addi %broadcast_in_dim3A_5, %shift_right_arithmetic3A_956 : vector<16xi32>
    %select_n3A_967 = arith.select %eq3A_965, %broadcast_in_dim3A_7, %add3A_966 : vector<16xi1>, vector<16xi32>
    %select_n3A_968 = arith.select %eq3A_962, %broadcast_in_dim3A, %select_n3A_967 : vector<16xi1>, vector<16xi32>
    %swap3A_969 = arith.constant 688 : index
    %swap3A_970 = tpu.vector_load %arg3[%swap3A_969] {strides = array<i32>} : memref<768xi32, #tpu.memory_space<vmem>>, vector<16xi32>,
    %swap3A_971 = vector.shape_cast %swap3A_970 : vector<16xi32> to vector<16xi32>
    %swap3A_972 = vector.shape_cast %select_n3A_968 : vector<16xi32> to vector<16xi32>
    tpu.vector_store %arg3[%swap3A_969], %swap3A_972 {strides = array<i32>} : memref<768xi32, #tpu.memory_space<vmem>>, vector<16xi32>,
    %add3A_973 = arith.constant 704 : i32
    %add3A_974 = vector.broadcast %add3A_973 : i32 to vector<16xi32>
    %add3A_975 = arith.addi %add3A_974, %iota3A : vector<16xi32>
    %shift_right_arithmetic3A_976 = arith.constant 2 : i32
    %shift_right_arithmetic3A_977 = vector.broadcast %shift_right_arithmetic3A_976 : i32 to vector<16xi32>
    %shift_right_arithmetic3A_978 = arith.shrsi %add3A_975, %shift_right_arithmetic3A_977 : vector<16xi32>
    %and3A_979 = arith.constant 3 : i32
    %and3A_980 = vector.broadcast %and3A_979 : i32 to vector<16xi32>
    %and3A_981 = arith.andi %add3A_975, %and3A_980 : vector<16xi32>
    %eq3A_982 = arith.constant 0 : i32
    %eq3A_983 = vector.broadcast %eq3A_982 : i32 to vector<16xi32>
    %eq3A_984 = arith.cmpi eq, %and3A_981, %eq3A_983 : vector<16xi32>
    %eq3A_985 = arith.constant 1 : i32
    %eq3A_986 = vector.broadcast %eq3A_985 : i32 to vector<16xi32>
    %eq3A_987 = arith.cmpi eq, %and3A_981, %eq3A_986 : vector<16xi32>
    %add3A_988 = arith.addi %broadcast_in_dim3A_5, %shift_right_arithmetic3A_978 : vector<16xi32>
    %select_n3A_989 = arith.select %eq3A_987, %broadcast_in_dim3A_7, %add3A_988 : vector<16xi1>, vector<16xi32>
    %select_n3A_990 = arith.select %eq3A_984, %broadcast_in_dim3A, %select_n3A_989 : vector<16xi1>, vector<16xi32>
    %swap3A_991 = arith.constant 704 : index
    %swap3A_992 = tpu.vector_load %arg3[%swap3A_991] {strides = array<i32>} : memref<768xi32, #tpu.memory_space<vmem>>, vector<16xi32>,
    %swap3A_993 = vector.shape_cast %swap3A_992 : vector<16xi32> to vector<16xi32>
    %swap3A_994 = vector.shape_cast %select_n3A_990 : vector<16xi32> to vector<16xi32>
    tpu.vector_store %arg3[%swap3A_991], %swap3A_994 {strides = array<i32>} : memref<768xi32, #tpu.memory_space<vmem>>, vector<16xi32>,
    %add3A_995 = arith.constant 720 : i32
    %add3A_996 = vector.broadcast %add3A_995 : i32 to vector<16xi32>
    %add3A_997 = arith.addi %add3A_996, %iota3A : vector<16xi32>
    %shift_right_arithmetic3A_998 = arith.constant 2 : i32
    %shift_right_arithmetic3A_999 = vector.broadcast %shift_right_arithmetic3A_998 : i32 to vector<16xi32>
    %shift_right_arithmetic3A_1000 = arith.shrsi %add3A_997, %shift_right_arithmetic3A_999 : vector<16xi32>
    %and3A_1001 = arith.constant 3 : i32
    %and3A_1002 = vector.broadcast %and3A_1001 : i32 to vector<16xi32>
    %and3A_1003 = arith.andi %add3A_997, %and3A_1002 : vector<16xi32>
    %eq3A_1004 = arith.constant 0 : i32
    %eq3A_1005 = vector.broadcast %eq3A_1004 : i32 to vector<16xi32>
    %eq3A_1006 = arith.cmpi eq, %and3A_1003, %eq3A_1005 : vector<16xi32>
    %eq3A_1007 = arith.constant 1 : i32
    %eq3A_1008 = vector.broadcast %eq3A_1007 : i32 to vector<16xi32>
    %eq3A_1009 = arith.cmpi eq, %and3A_1003, %eq3A_1008 : vector<16xi32>
    %add3A_1010 = arith.addi %broadcast_in_dim3A_5, %shift_right_arithmetic3A_1000 : vector<16xi32>
    %select_n3A_1011 = arith.select %eq3A_1009, %broadcast_in_dim3A_7, %add3A_1010 : vector<16xi1>, vector<16xi32>
    %select_n3A_1012 = arith.select %eq3A_1006, %broadcast_in_dim3A, %select_n3A_1011 : vector<16xi1>, vector<16xi32>
    %swap3A_1013 = arith.constant 720 : index
    %swap3A_1014 = tpu.vector_load %arg3[%swap3A_1013] {strides = array<i32>} : memref<768xi32, #tpu.memory_space<vmem>>, vector<16xi32>,
    %swap3A_1015 = vector.shape_cast %swap3A_1014 : vector<16xi32> to vector<16xi32>
    %swap3A_1016 = vector.shape_cast %select_n3A_1012 : vector<16xi32> to vector<16xi32>
    tpu.vector_store %arg3[%swap3A_1013], %swap3A_1016 {strides = array<i32>} : memref<768xi32, #tpu.memory_space<vmem>>, vector<16xi32>,
    %add3A_1017 = arith.constant 736 : i32
    %add3A_1018 = vector.broadcast %add3A_1017 : i32 to vector<16xi32>
    %add3A_1019 = arith.addi %add3A_1018, %iota3A : vector<16xi32>
    %shift_right_arithmetic3A_1020 = arith.constant 2 : i32
    %shift_right_arithmetic3A_1021 = vector.broadcast %shift_right_arithmetic3A_1020 : i32 to vector<16xi32>
    %shift_right_arithmetic3A_1022 = arith.shrsi %add3A_1019, %shift_right_arithmetic3A_1021 : vector<16xi32>
    %and3A_1023 = arith.constant 3 : i32
    %and3A_1024 = vector.broadcast %and3A_1023 : i32 to vector<16xi32>
    %and3A_1025 = arith.andi %add3A_1019, %and3A_1024 : vector<16xi32>
    %eq3A_1026 = arith.constant 0 : i32
    %eq3A_1027 = vector.broadcast %eq3A_1026 : i32 to vector<16xi32>
    %eq3A_1028 = arith.cmpi eq, %and3A_1025, %eq3A_1027 : vector<16xi32>
    %eq3A_1029 = arith.constant 1 : i32
    %eq3A_1030 = vector.broadcast %eq3A_1029 : i32 to vector<16xi32>
    %eq3A_1031 = arith.cmpi eq, %and3A_1025, %eq3A_1030 : vector<16xi32>
    %add3A_1032 = arith.addi %broadcast_in_dim3A_5, %shift_right_arithmetic3A_1022 : vector<16xi32>
    %select_n3A_1033 = arith.select %eq3A_1031, %broadcast_in_dim3A_7, %add3A_1032 : vector<16xi1>, vector<16xi32>
    %select_n3A_1034 = arith.select %eq3A_1028, %broadcast_in_dim3A, %select_n3A_1033 : vector<16xi1>, vector<16xi32>
    %swap3A_1035 = arith.constant 736 : index
    %swap3A_1036 = tpu.vector_load %arg3[%swap3A_1035] {strides = array<i32>} : memref<768xi32, #tpu.memory_space<vmem>>, vector<16xi32>,
    %swap3A_1037 = vector.shape_cast %swap3A_1036 : vector<16xi32> to vector<16xi32>
    %swap3A_1038 = vector.shape_cast %select_n3A_1034 : vector<16xi32> to vector<16xi32>
    tpu.vector_store %arg3[%swap3A_1035], %swap3A_1038 {strides = array<i32>} : memref<768xi32, #tpu.memory_space<vmem>>, vector<16xi32>,
    %add3A_1039 = arith.constant 752 : i32
    %add3A_1040 = vector.broadcast %add3A_1039 : i32 to vector<16xi32>
    %add3A_1041 = arith.addi %add3A_1040, %iota3A : vector<16xi32>
    %shift_right_arithmetic3A_1042 = arith.constant 2 : i32
    %shift_right_arithmetic3A_1043 = vector.broadcast %shift_right_arithmetic3A_1042 : i32 to vector<16xi32>
    %shift_right_arithmetic3A_1044 = arith.shrsi %add3A_1041, %shift_right_arithmetic3A_1043 : vector<16xi32>
    %and3A_1045 = arith.constant 3 : i32
    %and3A_1046 = vector.broadcast %and3A_1045 : i32 to vector<16xi32>
    %and3A_1047 = arith.andi %add3A_1041, %and3A_1046 : vector<16xi32>
    %eq3A_1048 = arith.constant 0 : i32
    %eq3A_1049 = vector.broadcast %eq3A_1048 : i32 to vector<16xi32>
    %eq3A_1050 = arith.cmpi eq, %and3A_1047, %eq3A_1049 : vector<16xi32>
    %eq3A_1051 = arith.constant 1 : i32
    %eq3A_1052 = vector.broadcast %eq3A_1051 : i32 to vector<16xi32>
    %eq3A_1053 = arith.cmpi eq, %and3A_1047, %eq3A_1052 : vector<16xi32>
    %add3A_1054 = arith.addi %broadcast_in_dim3A_5, %shift_right_arithmetic3A_1044 : vector<16xi32>
    %select_n3A_1055 = arith.select %eq3A_1053, %broadcast_in_dim3A_7, %add3A_1054 : vector<16xi1>, vector<16xi32>
    %select_n3A_1056 = arith.select %eq3A_1050, %broadcast_in_dim3A, %select_n3A_1055 : vector<16xi1>, vector<16xi32>
    %swap3A_1057 = arith.constant 752 : index
    %swap3A_1058 = tpu.vector_load %arg3[%swap3A_1057] {strides = array<i32>} : memref<768xi32, #tpu.memory_space<vmem>>, vector<16xi32>,
    %swap3A_1059 = vector.shape_cast %swap3A_1058 : vector<16xi32> to vector<16xi32>
    %swap3A_1060 = vector.shape_cast %select_n3A_1056 : vector<16xi32> to vector<16xi32>
    tpu.vector_store %arg3[%swap3A_1057], %swap3A_1060 {strides = array<i32>} : memref<768xi32, #tpu.memory_space<vmem>>, vector<16xi32>,
    %mul3A_1061 = arith.constant 192 : i32
    %mul3A_1062 = arith.muli %add3A, %mul3A_1061 : i32
    %mul3A_1063 = arith.constant 4 : i32
    %mul3A_1064 = arith.muli %mul3A_1062, %mul3A_1063 : i32
    "tpu.region"() ({
      %run_scoped3A = tpu.sem_alloc : memref<!tpu.dma_semaphore, #tpu.memory_space<semaphore_mem>>
      %dma_start3A = tpu.memref_slice %arg2[%mul3A_1064] : memref<12288xi32, #tpu.memory_space<hbm>> -> memref<768xi32, #tpu.memory_space<hbm>>
      %dma_start3A_1065 = tpu.memref_slice %arg2[%mul3A_1064] : memref<12288xi32, #tpu.memory_space<hbm>> -> memref<768xi32, #tpu.memory_space<hbm>>
      tpu.enqueue_dma source(%arg3 : memref<768xi32, #tpu.memory_space<vmem>>) target(%dma_start3A_1065 : memref<768xi32, #tpu.memory_space<hbm>>) target_semaphore(%run_scoped3A : memref<!tpu.dma_semaphore, #tpu.memory_space<semaphore_mem>>)
      %dma_wait3A = tpu.memref_slice %arg2[%mul3A_1064] : memref<12288xi32, #tpu.memory_space<hbm>> -> memref<768xi32, #tpu.memory_space<hbm>>
      %dma_wait3A_1066 = tpu.memref_slice %arg2[%mul3A_1064] : memref<12288xi32, #tpu.memory_space<hbm>> -> memref<768xi32, #tpu.memory_space<hbm>>
      tpu.wait_dma2 semaphore(%run_scoped3A : memref<!tpu.dma_semaphore, #tpu.memory_space<semaphore_mem>>) src(%arg3 : memref<768xi32, #tpu.memory_space<vmem>>) dst(%dma_wait3A_1066 : memref<768xi32, #tpu.memory_space<hbm>>)
      tpu.yield
    }) : () -> ()
    return
  }
}

module attributes {stable_mosaic.version = 14 : i64} {
  func.func @_values_body(%arg0: i32, %arg1: i32, %arg2: memref<1x1x384x384xf32, #tpu.memory_space<vmem>>, %arg3: memref<1x16x384x384xf32, #tpu.memory_space<vmem>>) attributes {dimension_semantics = [#tpu.dimension_semantics<arbitrary>, #tpu.dimension_semantics<arbitrary>], iteration_bounds = array<i64: 8, 6>, scalar_prefetch = 0 : i64, scratch_operands = 0 : i64, tpu.core_type = #tpu.core_type<tc>, window_params = [{transform_indices = @transform_0, window_bounds = array<i64: 1, 1, 384, 384>}, {transform_indices = @transform_1, window_bounds = array<i64: 1, 16, 384, 384>}]} {
    %broadcast_in_dim3A = arith.constant 0.000000e+00 : f32
    %broadcast_in_dim3A_0 = vector.broadcast %broadcast_in_dim3A : f32 to vector<1x16x384x384xf32>
    %swap3A = arith.constant 0 : index
    %swap3A_1 = arith.constant 0 : index
    %swap3A_2 = arith.constant 0 : index
    %swap3A_3 = arith.constant 0 : index
    %swap3A_4 = vector.load %arg3[%swap3A, %swap3A_1, %swap3A_2, %swap3A_3] : memref<1x16x384x384xf32, #tpu.memory_space<vmem>>, vector<1x16x384x384xf32>
    tpu.vector_store %arg3[%swap3A, %swap3A_1, %swap3A_2, %swap3A_3], %broadcast_in_dim3A_0 {strides = array<i32>} : memref<1x16x384x384xf32, #tpu.memory_space<vmem>>, vector<1x16x384x384xf32>,
    %eq3A = arith.constant 0 : i32
    %eq3A_5 = arith.cmpi eq, %arg1, %eq3A : i32
    %convert_element_type3A = arith.extui %eq3A_5 : i1 to i32
    %cond3A = arith.constant 0 : i32
    %cond3A_6 = arith.cmpi ne, %convert_element_type3A, %cond3A : i32
    scf.if %cond3A_6 {
      %iota3A = tpu.iota {dimensions = array<i32: 0>} : vector<384x384xi32>
      %iota3A_7 = tpu.iota {dimensions = array<i32: 1>} : vector<384x384xi32>
      %eq3A_8 = arith.cmpi eq, %iota3A, %iota3A_7 : vector<384x384xi32>
      %get3A = arith.constant 0 : index
      %get3A_9 = arith.constant 0 : index
      %get3A_10 = arith.constant 0 : index
      %get3A_11 = arith.constant 0 : index
      %get3A_12 = vector.load %arg2[%get3A, %get3A_9, %get3A_10, %get3A_11] : memref<1x1x384x384xf32, #tpu.memory_space<vmem>>, vector<1x1x384x384xf32>
      %get3A_13 = vector.shape_cast %get3A_12 : vector<1x1x384x384xf32> to vector<384x384xf32>
      %jit3A = arith.constant 0.000000e+00 : f32
      %broadcast_in_dim3A_14 = vector.broadcast %jit3A : f32 to vector<384x384xf32>
      %select_n3A = arith.select %eq3A_8, %get3A_13, %broadcast_in_dim3A_14 : vector<384x384xi1>, vector<384x384xf32>
      %swap3A_15 = arith.constant 0 : index
      %swap3A_16 = arith.constant 0 : index
      %swap3A_17 = arith.constant 0 : index
      %swap3A_18 = arith.constant 0 : index
      %swap3A_19 = vector.load %arg3[%swap3A_15, %swap3A_16, %swap3A_17, %swap3A_18] : memref<1x16x384x384xf32, #tpu.memory_space<vmem>>, vector<1x1x384x384xf32>
      %swap3A_20 = vector.shape_cast %swap3A_19 : vector<1x1x384x384xf32> to vector<384x384xf32>
      %swap3A_21 = vector.shape_cast %select_n3A : vector<384x384xf32> to vector<1x1x384x384xf32>
      tpu.vector_store %arg3[%swap3A_15, %swap3A_16, %swap3A_17, %swap3A_18], %swap3A_21 {strides = array<i32>} : memref<1x16x384x384xf32, #tpu.memory_space<vmem>>, vector<1x1x384x384xf32>,
    } else {
    }
    return
  }
  func.func @transform_0(%arg0: i32, %arg1: i32) -> (i32, i32, i32, i32) {
    %c0_i32 = arith.constant 0 : i32
    %c0_i32_0 = arith.constant 0 : i32
    %c0_i32_1 = arith.constant 0 : i32
    %c0_i32_2 = arith.constant 0 : i32
    return %arg0, %c0_i32, %c0_i32_0, %c0_i32_1 : i32, i32, i32, i32
  }
  func.func @transform_1(%arg0: i32, %arg1: i32) -> (i32, i32, i32, i32) {
    %c0_i32 = arith.constant 0 : i32
    %c0_i32_0 = arith.constant 0 : i32
    %c0_i32_1 = arith.constant 0 : i32
    return %arg0, %arg1, %c0_i32, %c0_i32_0 : i32, i32, i32, i32
  }
}

</mosaic_0001>

<sc_bundles>
// kernel: kernel.4.cloned.1.call-start
scs
__scs_entry_jumppad:
0x0: {  	(pc) =	sbr.rel $0x88, $3  }
0x1: {  	(tag) =	ssettag $0x0;
	lr =	simm.s32 $0x1  }
0x2: {  	[smem:$0x3FA0] =	sst lr;
	_ =	strace $0xD0000000  }
0x3: {  	_ = 	snop  }
0x4: {  	_ = 	snop  }
0x5: {  	_ = 	snop  }
0x6: {  	_ = 	snop  }
0x7: {  	_ = 	snop  }
__scs_overlays_trampoline_lowered:
0x8: {  	[smem:$0x3FAF] =	sst s0  }
0x9: {  	[smem:$0x3FB0] =	sst s1  }
0xa: {  	[smem:$0x3FB1] =	sst s2  }
0xb: {  	[smem:$0x3FB2] =	sst s3  }
0xc: {  	[smem:$0x3FB3] =	sst s4  }
0xd: {  	[smem:$0x3FB4] =	sst s5  }
0xe: {  	[smem:$0x3FB5] =	sst s6  }
0xf: {  	[smem:$0x3FB6] =	sst s7  }
0x10: {  	[smem:$0x3FB7] =	sst s8  }
0x11: {  	[smem:$0x3FB8] =	sst s9;
	s0 =	simm.s32 @!p0 $0x0  }
0x12: {  	s1 =	sld [smem:$0x3F9E];
	s0 =	simm.s32 @p0 $0x1  }
0x13: {  	[smem:$0x3FB9] =	sst s0;
	s0 =	simm.s32 @!p1 $0x0  }
0x14: {  	s2 =	sld [smem:$0x3F9D];
	s0 =	simm.s32 @p1 $0x1  }
0x15: {  	[smem:$0x3FBA] =	sst s0;
	s0 =	simm.s32 @!p2 $0x0  }
0x16: {  	s3 =	sld [smem:$0x3FDB];
	s0 =	simm.s32 @p2 $0x1  }
0x17: {  	s4 =	simm.s32 $0x1BF5;
	[smem:$0x3FBC] =	sst s0  }
0x18: {  	s0 =	sld [smem:$0x3F9F];
	_ =	swait.ge [sflag:s4], $0x0  }
0x19: {  	s7 =	sld [smem:$0x3FA0]  }
0x1a: {  	s8 =	sadd.s32 $0xFFFFE003, lr  }
0x1b: {  	s9 =	sadd.s32 $0xFFFFFEF7, lr;
	s5 =	simm.s32 $0xFFFFFFFF;
	p2 =	slt.u32 s8, $0xFFFFF086  }
0x1c: {  	p1 =	slt.u32 s9, $0xF7A;
	s5 =	simm.s32 @!p2 $0x0  }
0x1d: {  	s5 =	simm.s32 @p1 $0x1;
	p0 =	seq.s32 s7, s2  }
0x1e: {  	s7 =	smul.u32 @!p0 $0xF7A, s2;
	p2 =	seq.s32 @!p0 s5, $0x0  }
0x1f: {  	s9 =	smul.u32 $0xF7A, s1;
	s8 =	simm.s32 @!p0 $0x1BF5;
	p2 =	por !p2, p0  }
0x20: {  	[sflag:s8] =	ssyncset.s32 @!p0 $0xFFFFF086;
	s6 =	sadd.s32 @!p0 s3, s7;
	s7 =	simm.s32 @!p0 $0x108  }
0x21: {  	s3 =	sadd.s32 s3, s9;
	s6 =	sadd.s32 @!p0 $0x88, s6;
	s7 =	simm.s32 @p2 $0x1082  }
0x22: {  	[simem:s7], [sflag:s8] =	dma.local @!p0 [hbm:s6], $0xF7A  }
0x23: {  	s9 =	sor.u32 $0xD0000000, s2;
	s6 =	simm.s32 $0x108;
	_ =	swait.ge @!p0 [sflag:s8], $0x0  }
0x24: {  	s3 =	sadd.s32 $0x88, s3;
	s6 =	simm.s32 @!p1 $0x1082;
	[sflag:s4] =	ssyncset.s32 $0xFFFFF086  }
0x25: {  	[simem:s6], [sflag:s4] =	dma.local [hbm:s3], $0xF7A  }
0x26: {  	[smem:$0x3FA0] =	sst s1;
	(tag) =	ssettag s2;
	_ =	strace s9  }
0x27: {  	s1 =	sld [smem:$0x3FB0]  }
0x28: {  	s2 =	sld [smem:$0x3FB1]  }
0x29: {  	s4 =	sld [smem:$0x3FB3]  }
0x2a: {  	p0 =	seq.s32 s5, $0x0;
	s5 =	sld [smem:$0x3FB4]  }
0x2b: {  	s6 =	sld [smem:$0x3FB5]  }
0x2c: {  	s7 =	sld [smem:$0x3FB6]  }
0x2d: {  	s3 =	simm.s32 $0x108;
	s8 =	sld [smem:$0x3FB7]  }
0x2e: {  	s3 =	simm.s32 @!p0 $0x1082;
	s9 =	sld [smem:$0x3FB8]  }
0x2f: {  	lr =	sadd.s32 s0, s3;
	s0 =	sld [smem:$0x3FAF]  }
0x30: {  	s3 =	sld [smem:$0x3FB2]  }
0x31: {  	[smem:$0x3FBB] =	sst s10  }
0x32: {  	s10 =	sld [smem:$0x3FB9];
	_ =	sdelay $0x3  }
0x33: {  	p0 =	seq.s32 s10, $0x1;
	s10 =	sld [smem:$0x3FBB];
	_ =	sdelay $0x3  }
0x34: {  	[smem:$0x3FBB] =	sst s10  }
0x35: {  	s10 =	sld [smem:$0x3FBA];
	_ =	sdelay $0x3  }
0x36: {  	p1 =	seq.s32 s10, $0x1;
	s10 =	sld [smem:$0x3FBB];
	_ =	sdelay $0x3  }
0x37: {  	[smem:$0x3FBB] =	sst s10  }
0x38: {  	s10 =	sld [smem:$0x3FBC]  }
0x39: {  	_ = 	snop;
	(pc) =	sbr.ind lr, $3  }
0x3a: {  	_ = 	snop  }
0x3b: {  	_ = 	snop  }
0x3c: {  	p2 =	seq.s32 s10, $0x1;
	s10 =	sld [smem:$0x3FBB]  }
0x3d: {  	_ =	shalt  }
0x3e: {  	_ =	shalt  }
0x3f: {  	_ =	shalt  }
0x40: {  	_ =	shalt  }
0x41: {  	_ =	shalt  }
0x42: {  	_ =	shalt  }
0x43: {  	_ =	shalt  }
0x44: {  	_ =	shalt  }
0x45: {  	_ =	shalt  }
0x46: {  	_ =	shalt  }
0x47: {  	_ =	shalt  }
0x48: {  	_ =	shalt  }
0x49: {  	_ =	shalt  }
0x4a: {  	_ =	shalt  }
0x4b: {  	_ =	shalt  }
0x4c: {  	_ =	shalt  }
0x4d: {  	_ =	shalt  }
0x4e: {  	_ =	shalt  }
0x4f: {  	_ =	shalt  }
0x50: {  	_ =	shalt  }
0x51: {  	_ =	shalt  }
0x52: {  	_ =	shalt  }
0x53: {  	_ =	shalt  }
0x54: {  	_ =	shalt  }
0x55: {  	_ =	shalt  }
0x56: {  	_ =	shalt  }
0x57: {  	_ =	shalt  }
0x58: {  	_ =	shalt  }
0x59: {  	_ =	shalt  }
0x5a: {  	_ =	shalt  }
0x5b: {  	_ =	shalt  }
0x5c: {  	_ =	shalt  }
0x5d: {  	_ =	shalt  }
0x5e: {  	_ =	shalt  }
0x5f: {  	_ =	shalt  }
0x60: {  	_ =	shalt  }
0x61: {  	_ =	shalt  }
0x62: {  	_ =	shalt  }
0x63: {  	_ =	shalt  }
0x64: {  	_ =	shalt  }
0x65: {  	_ =	shalt  }
0x66: {  	_ =	shalt  }
0x67: {  	_ =	shalt  }
0x68: {  	_ =	shalt  }
0x69: {  	_ =	shalt  }
0x6a: {  	_ =	shalt  }
0x6b: {  	_ =	shalt  }
0x6c: {  	_ =	shalt  }
0x6d: {  	_ =	shalt  }
0x6e: {  	_ =	shalt  }
0x6f: {  	_ =	shalt  }
0x70: {  	_ =	shalt  }
0x71: {  	_ =	shalt  }
0x72: {  	_ =	shalt  }
0x73: {  	_ =	shalt  }
0x74: {  	_ =	shalt  }
0x75: {  	_ =	shalt  }
0x76: {  	_ =	shalt  }
0x77: {  	_ =	shalt  }
0x78: {  	_ =	shalt  }
0x79: {  	_ =	shalt  }
0x7a: {  	_ =	shalt  }
0x7b: {  	_ =	shalt  }
0x7c: {  	_ =	shalt  }
0x7d: {  	_ =	shalt  }
0x7e: {  	_ =	shalt  }
0x7f: {  	_ =	shalt  }
0x80: {  	_ =	shalt  }
0x81: {  	_ =	shalt  }
0x82: {  	_ =	shalt  }
0x83: {  	_ =	shalt  }
0x84: {  	_ =	shalt  }
0x85: {  	_ =	shalt  }
0x86: {  	_ =	shalt  }
0x87: {  	_ =	shalt  }
.Lfunc_end0:
.L_simem_size_0:
called_computation_lowered:
.L_overlay_start_0:
0x88: {  	s0 =	sld [smem:$0x3FD9]  }
0x89: {  	s1 =	sld [smem:$0x3FFE];
	_ =	sdelay $0x3  }
0x8a: {  	s0 =	sadd.s32 s1, s0  }
0x8b: {  	[smem:$0x3FC7] =	sst s0  }
0x8c: {  	_ = 	snop  }
0x8d: {  	s0 =	sld [smem:$0x3FD0];
	_ =	sdelay $0x2  }
0x8e: {  	s14 =	simm.s32 $0xA;
	s2 =	simm.s32 $0x10  }
0x8f: {  	[smem:s2], [sflag:s14] =	dma.local [hbm:s0], $0x1  }
0x90: {  	_ =	swait.eq [sflag:s14], $0x1  }
0x91: {  	[sflag:s14] =	ssyncset.done $0x0  }
0x92: {  	[sflag:s14] =	ssyncadd.s32 $0xFFFFFFFF  }
0x93: {  	s15 =	sld [smem:$0x11];
	(tm) =	ssettm $0x1  }
0x94: {  	s16 =	sld [smem:$0x3FFB];
	_ =	sdelay $0x3  }
0x95: {  	_ =	strace s16  }
0x96: {  	s1 =	sld [smem:$0x3FFC];
	_ =	sdelay $0x3  }
0x97: {  	_ =	strace s1  }
0x98: {  	s1 =	sld [smem:$0x3FFD];
	_ =	sdelay $0x3  }
0x99: {  	_ =	strace s1  }
0x9a: {  	_ =	strace $0x8FFFFFFF  }
0x9b: {  	s17 =	sld [smem:$0x3FDB];
	_ =	sdelay $0x1  }
0x9c: {  	s18 =	simm.s32 $_scs_section_size  }
0x9d: {  	s3 =	simm.s32 $_size__tile_overlayer_lowered;
	s4 =	simm.s32 $_tile_overlayer_lowered  }
0x9e: {  	s21 =	simm.s32 $0x1BFF;
	s20 =	sshll.u32 s4, $0x1;
	s1 =	sadd.s32 s18, s17  }
0x9f: {  	s5 =	simm.s32 $0x0;
	s19 =	sshll.u32 s3, $0x1;
	s3 =	sadd.s32 s20, s1  }
0xa0: {  	[timem:s5], [sflag:s21] =	dma.local [hbm:s3], s19  }
0xa1: {  	_ =	swait.ge [sflag:s21], s19  }
0xa2: {  	s2 =	ssub.s32 $0x0, s19;
	[sflag:s21] =	ssyncset.done $0x0  }
0xa3: {  	[sflag:s21] =	ssyncadd.s32 s2;
	_ =	sdelay $0x1  }
0xa4: {  	s22 =	simm.s32 $0x1B8B  }
0xa5: {  	_ =	swait.ge [sflag:s22], $0x1  }
0xa6: {  	[sflag:s22] =	ssyncset.done $0x0  }
0xa7: {  	s23 =	simm.s32 $0x1B8E;
	[sflag:s22] =	ssyncadd.s32 $0xFFFFFFFF  }
0xa8: {  	s24 =	simm.s32 $execute0_lowered;
	[smem:$0x3FD2] =	sst s23  }
0xa9: {  	s2 =	sshll.u32 s24, $0x1;
	_ =	strace $0x80000046;
	[dreg:$0x1] =	wrdreg $0xFFFFFFFF  }
0xaa: {  	s25 =	simm.s32 $_size_execute0_lowered;
	s1 =	sadd.s32 s1, s2;
	[dreg:$0x0] =	wrdreg $0x0  }
0xab: {  	s2 =	sshll.u32 s25, $0x1;
	[dreg:$0x2] =	wrdreg s1  }
0xac: {  	[dreg:$0x3] =	wrdreg s2  }
0xad: {  	[dreg:$0x4] =	wrdreg $0xC0  }
0xae: {  	_ =	task [dreg:s5], $0x5FFFF  }
0xaf: {  	[dreg:$0x1] =	wrdreg $0xFFFFFFFF  }
0xb0: {  	[dreg:$0x0] =	wrdreg $0x60  }
0xb1: {  	[dreg:$0x2] =	wrdreg s15  }
0xb2: {  	[dreg:$0x3] =	wrdreg $0x9  }
0xb3: {  	_ =	task.clear_ibuf [dreg:s5], $0x4FFFF;
	_ =	strace $0x90000046  }
0xb4: {  	s26 =	simm.s32 $0x9;
	_ =	strace $0x80000048  }
0xb5: {  	_ =	swait.ge [sflag:s26], $0x1  }
0xb6: {  	[sflag:s26] =	ssyncadd.s32 $0xFFFFFFFF  }
0xb7: {  	_ =	strace $0x90000048  }
0xb8: {  	_ =	sfence  }
0xb9: {  	s28 =	sld [smem:$0x0];
	_ =	sdelay $0x1  }
0xba: {  	s29 =	srdreg.scid  }
0xbb: {  	s30 =	sshll.u32 s29, $0xD;
	s31 =	sshrl.u32 s29, $0x2  }
0xbc: {  	s1 =	sand.u32 $0x1, s29;
	s2 =	sand.u32 $0x4000, s30;
	s0 =	sadd.s32 s31, s28  }
0xbd: {  	s1 =	sor.u32 s2, s1;
	s0 =	sshll.u32 s0, $0x11  }
0xbe: {  	s0 =	sor.u32 s0, s1  }
0xbf: {  	s0 =	sadd.s32 $0x8F2B, s0  }
0xc0: {  	[sflag:s0] =	ssyncadd.remote.s32 $0x1  }
0xc1: {  	_ =	sfence.sel $0xFFFF  }
0xc2: {  	[dreg:$0x0] =	wrdreg $0xFFFFFFFF;
	(pc) =	sbr.abs _section_cstart, $3  }
0xc3: {  	[dreg:$0x1] =	wrdreg $0xFFFFFFFF  }
0xc4: {  	_ =	task.clear_ibuf [dreg:s5], $0x2FFFF;
	_ =	strace $0x9FFFFFFF  }
0xc5: {  	(tm) =	ssettm $0x7FFFFFFF  }
tec
execute0_lowered:
.L_overlay_start_1:
0x0: {  	(tag) =	ssettag $0x1  }
0x1: {  	v0 =	vimm.s32 $0x3;
	vm1 =	vcmask $0x1708  }
0x2: {  	vm0 =	vcmask $0x2718;
	vm2 =	vcmask $0x3728;
	vm3 =	vcmask $0x1F18  }
0x3: {  	vm4 =	vcmask $0xF08;
	vm11 =	vcmask $0x2F28;
	vm12 =	vcmask $0x3F38  }
0x4: {  	vm13 =	vcmask $0x1F14;
	vm5 =	vcmask $0xF04;
	v1 =	vimm.s32 $0x7  }
0x5: {  	vm14 =	vcmask $0x2F24;
	v2 =	vimm.s32 $0xB;
	vm15 =	vcmask $0x3F34  }
0x6: {  	v62 =	vimm.s32 $0xF;
	v4 =	vimm.s32 $0x13;
	v5 =	vimm.s32 $0x17  }
0x7: {  	v32 =	vimm.s32 $0x1B;
	v7 =	vimm.s32 $0x1F;
	v8 =	vimm.s32 $0x23  }
0x8: {  	v35 =	vimm.s32 $0x27;
	v10 =	vimm.s32 $0x2B;
	v11 =	vimm.s32 $0x2F  }
0x9: {  	v38 =	vimm.s32 $0x33;
	v13 =	vimm.s32 $0x37;
	v14 =	vimm.s32 $0x3B  }
0xa: {  	v41 =	vimm.s32 $0x3F;
	v16 =	vimm.s32 $0x43;
	v17 =	vimm.s32 $0x47  }
0xb: {  	v45 =	vimm.s32 $0x4B;
	v19 =	vimm.s32 $0x4F;
	v20 =	vimm.s32 $0x53  }
0xc: {  	v49 =	vimm.s32 $0x57;
	v22 =	vimm.s32 $0x5B;
	v23 =	vimm.s32 $0x5F  }
0xd: {  	v52 =	vimm.s32 $0x63;
	v25 =	vimm.s32 $0x67;
	v26 =	vimm.s32 $0x6B  }
0xe: {  	v27 =	vimm.s32 $0x6F;
	v28 =	vimm.s32 $0x73;
	v29 =	vimm.s32 $0x77  }
0xf: {  	v0 =	vsel vm1, $0x0, v0;
	vm3 =	vmor vm4, vm3;
	vm4 =	vmor vm5, vm13  }
0x10: {  	v1 =	vsel vm1, $0x4, v1;
	v2 =	vsel vm1, $0x8, v2;
	v4 =	vsel vm1, $0x10, v4  }
0x11: {  	v5 =	vsel vm1, $0x14, v5;
	v7 =	vsel vm1, $0x1C, v7;
	v8 =	vsel vm1, $0x20, v8  }
0x12: {  	v10 =	vsel vm1, $0x28, v10;
	v11 =	vsel vm1, $0x2C, v11;
	v13 =	vsel vm1, $0x34, v13  }
0x13: {  	v14 =	vsel vm1, $0x38, v14;
	v16 =	vsel vm1, $0x40, v16;
	v17 =	vsel vm1, $0x44, v17  }
0x14: {  	v19 =	vsel vm1, $0x4C, v19;
	v20 =	vsel vm1, $0x50, v20;
	v22 =	vsel vm1, $0x58, v22  }
0x15: {  	v23 =	vsel vm1, $0x5C, v23;
	v25 =	vsel vm1, $0x64, v25;
	v26 =	vsel vm1, $0x68, v26  }
0x16: {  	v27 =	vsel vm1, $0x6C, v27;
	v28 =	vsel vm1, $0x70, v28;
	v29 =	vsel vm1, $0x74, v29  }
0x17: {  	v0 =	vsel vm0, $0x1, v0;
	vm3 =	vmor vm3, vm11;
	vm4 =	vmor vm4, vm14  }
0x18: {  	v1 =	vsel vm0, $0x5, v1;
	v2 =	vsel vm0, $0x9, v2;
	v4 =	vsel vm0, $0x11, v4  }
0x19: {  	v5 =	vsel vm0, $0x15, v5;
	v7 =	vsel vm0, $0x1D, v7;
	v8 =	vsel vm0, $0x21, v8  }
0x1a: {  	v10 =	vsel vm0, $0x29, v10;
	v11 =	vsel vm0, $0x2D, v11;
	v13 =	vsel vm0, $0x35, v13  }
0x1b: {  	v14 =	vsel vm0, $0x39, v14;
	v16 =	vsel vm0, $0x41, v16;
	v17 =	vsel vm0, $0x45, v17  }
0x1c: {  	v19 =	vsel vm0, $0x4D, v19;
	v20 =	vsel vm0, $0x51, v20;
	v22 =	vsel vm0, $0x59, v22  }
0x1d: {  	v23 =	vsel vm0, $0x5D, v23;
	v25 =	vsel vm0, $0x65, v25;
	v26 =	vsel vm0, $0x69, v26  }
0x1e: {  	v27 =	vsel vm0, $0x6D, v27;
	v28 =	vsel vm0, $0x71, v28;
	v29 =	vsel vm0, $0x75, v29  }
0x1f: {  	v0 =	vsel vm2, $0x2, v0;
	vm3 =	vmor vm3, vm12;
	v1 =	vsel vm2, $0x6, v1  }
0x20: {  	vm4 =	vmor vm4, vm15;
	v3 =	vsel vm2, $0xA, v2;
	v4 =	vsel vm2, $0x12, v4  }
0x21: {  	v6 =	vsel vm2, $0x16, v5;
	v7 =	vsel vm2, $0x1E, v7;
	v9 =	vsel vm2, $0x22, v8  }
0x22: {  	v10 =	vsel vm2, $0x2A, v10;
	v12 =	vsel vm2, $0x2E, v11;
	v13 =	vsel vm2, $0x36, v13  }
0x23: {  	s0 =	stileid.u32;
	v15 =	vsel vm2, $0x3A, v14;
	v16 =	vsel vm2, $0x42, v16;
	v18 =	vsel vm2, $0x46, v17  }
0x24: {  	s1 =	sand.u32 $0x1, s0;
	v19 =	vsel vm2, $0x4E, v19;
	v21 =	vsel vm2, $0x52, v20;
	v22 =	vsel vm2, $0x5A, v22  }
0x25: {  	p0 =	seq.s32 s1, $0x1;
	s1 =	simm.s32 $0xC0;
	v23 =	vsel vm2, $0x5E, v23;
	v25 =	vsel vm2, $0x66, v25;
	v26 =	vsel vm2, $0x6A, v26  }
0x26: {  	s1 =	simm.s32 @!p0 $0x0;
	v27 =	vsel vm2, $0x6E, v27;
	v28 =	vsel vm2, $0x72, v28;
	v55 =	vsel vm2, $0x76, v29  }
0x27: {  	v0 =	vor.u32 s1, v0;
	v1 =	vor.u32 s1, v1;
	v3 =	vor.u32 s1, v3  }
0x28: {  	v4 =	vor.u32 s1, v4;
	v6 =	vor.u32 s1, v6;
	v7 =	vor.u32 s1, v7  }
0x29: {  	v9 =	vor.u32 s1, v9;
	v10 =	vor.u32 s1, v10;
	v12 =	vor.u32 s1, v12  }
0x2a: {  	v13 =	vor.u32 s1, v13;
	v15 =	vor.u32 s1, v15;
	v16 =	vadd.s32 s1, v16  }
0x2b: {  	v18 =	vadd.s32 s1, v18;
	v19 =	vadd.s32 s1, v19;
	v21 =	vadd.s32 s1, v21  }
0x2c: {  	v22 =	vadd.s32 s1, v22;
	v23 =	vadd.s32 s1, v23;
	v25 =	vadd.s32 s1, v25  }
0x2d: {  	v26 =	vadd.s32 s1, v26;
	v27 =	vadd.s32 s1, v27;
	v54 =	vadd.s32 s1, v28  }
0x2e: {  	v58 =	vadd.s32 s1, v55;
	v55 =	vimm.s32 $0xB7;
	v0 =	vnsel vm3, $0x0, v0  }
0x2f: {  	v60 =	vnsel vm3, $0x0, v1;
	v61 =	vnsel vm3, $0x0, v3;
	v3 =	vsel vm1, $0xC, v62  }
0x30: {  	v30 =	vnsel vm3, $0x0, v4;
	v31 =	vnsel vm3, $0x0, v6;
	v6 =	vsel vm1, $0x18, v32  }
0x31: {  	v33 =	vnsel vm3, $0x0, v7;
	v34 =	vnsel vm3, $0x0, v9;
	v9 =	vsel vm1, $0x24, v35  }
0x32: {  	v36 =	vnsel vm3, $0x0, v10;
	v37 =	vnsel vm3, $0x0, v12;
	v12 =	vsel vm1, $0x30, v38  }
0x33: {  	v39 =	vnsel vm3, $0x0, v13;
	v40 =	vnsel vm3, $0x0, v15;
	v15 =	vsel vm1, $0x3C, v41  }
0x34: {  	v43 =	vnsel vm3, $0x0, v16;
	v44 =	vnsel vm3, $0x0, v18;
	v18 =	vsel vm1, $0x48, v45  }
0x35: {  	v47 =	vnsel vm3, $0x0, v19;
	v48 =	vnsel vm3, $0x0, v21;
	v21 =	vsel vm1, $0x54, v49  }
0x36: {  	v50 =	vnsel vm3, $0x0, v22;
	v51 =	vnsel vm3, $0x0, v23;
	v23 =	vsel vm1, $0x60, v52  }
0x37: {  	v25 =	vnsel vm3, $0x0, v25;
	v26 =	vnsel vm3, $0x0, v26;
	v53 =	vnsel vm3, $0x0, v27  }
0x38: {  	v57 =	vnsel vm3, $0x0, v54;
	v32 =	vimm.s32 $0x83;
	v38 =	vimm.s32 $0x8F  }
0x39: {  	s2 =	sshrl.u32 s0, $0x1;
	v41 =	vimm.s32 $0x9B;
	v52 =	vimm.s32 $0xAB;
	v54 =	vimm.s32 $0xB3  }
0x3a: {  	v59 =	vnsel vm4, s2, v0;
	v1 =	vnsel vm4, s2, v60;
	v0 =	vnsel vm4, s2, v61  }
0x3b: {  	v3 =	vsel vm0, $0xD, v3;
	v4 =	vnsel vm4, s2, v30;
	v6 =	vsel vm0, $0x19, v6  }
0x3c: {  	v7 =	vnsel vm4, s2, v33;
	v9 =	vsel vm0, $0x25, v9;
	v10 =	vnsel vm4, s2, v36  }
0x3d: {  	v12 =	vsel vm0, $0x31, v12;
	v13 =	vnsel vm4, s2, v39;
	v15 =	vsel vm0, $0x3D, v15  }
0x3e: {  	v16 =	vnsel vm4, s2, v43;
	v18 =	vsel vm0, $0x49, v18;
	v19 =	vnsel vm4, s2, v47  }
0x3f: {  	v21 =	vsel vm0, $0x55, v21;
	v22 =	vnsel vm4, s2, v50;
	v23 =	vsel vm0, $0x61, v23  }
0x40: {  	v25 =	vnsel vm4, s2, v25;
	v26 =	vnsel vm4, s2, v26;
	v56 =	vnsel vm4, s2, v53  }
0x41: {  	v60 =	vnsel vm3, $0x0, v58;
	v61 =	vimm.s32 $0x7B;
	v35 =	vsel vm1, $0x80, v32  }
0x42: {  	v36 =	vimm.s32 $0x87;
	v39 =	vimm.s32 $0x93;
	v43 =	vimm.s32 $0xA3  }
0x43: {  	s4 =	rddreg [dreg:$0x0];
	s5 =	simm.s32 $0x0;
	v53 =	vimm.s32 $0xAF;
	v3 =	vsel vm2, $0xE, v3;
	v6 =	vsel vm2, $0x1A, v6  }
0x44: {  	[smem:$0x7FF] =	sst s5;
	v9 =	vsel vm2, $0x26, v9;
	v12 =	vsel vm2, $0x32, v12;
	v15 =	vsel vm2, $0x3E, v15  }
0x45: {  	s3 =	rddreg [dreg:$0x1];
	_ =	strace $0x80000047;
	v18 =	vsel vm2, $0x4A, v18;
	v21 =	vsel vm2, $0x56, v21;
	v23 =	vsel vm2, $0x62, v23;
	[tilespmem:$0x0] =	vst v59  }
0x46: {  	v59 =	vnsel vm4, s2, v57;
	v2 =	vnsel vm4, s2, v60;
	v62 =	vsel vm1, $0x78, v61;
	[tilespmem:$0xD0] =	vst v13  }
0x47: {  	v5 =	vsel vm0, $0x81, v35;
	v13 =	vsel vm1, $0xA0, v43;
	[tilespmem:$0x1B0] =	vst v56;
	v56 =	vimm.s32 $0xBB  }
0x48: {  	v3 =	vor.u32 s1, v3;
	v6 =	vor.u32 s1, v6;
	v9 =	vor.u32 s1, v9  }
0x49: {  	v12 =	vor.u32 s1, v12;
	v15 =	vor.u32 s1, v15;
	v18 =	vadd.s32 s1, v18  }
0x4a: {  	v21 =	vadd.s32 s1, v21;
	v23 =	vadd.s32 s1, v23;
	v30 =	vsel vm0, $0x79, v62  }
0x4b: {  	v5 =	vsel vm2, $0x82, v5;
	v13 =	vsel vm0, $0xA1, v13;
	v58 =	vsel vm1, $0xB8, v56  }
0x4c: {  	[tilespmem:$0x1C0] =	vst v59;
	v59 =	vimm.s32 $0xBF;
	v3 =	vnsel vm3, $0x0, v3;
	v6 =	vnsel vm3, $0x0, v6  }
0x4d: {  	[tilespmem:$0x10] =	vst v1;
	v9 =	vnsel vm3, $0x0, v9;
	v12 =	vnsel vm3, $0x0, v12;
	v15 =	vnsel vm3, $0x0, v15  }
0x4e: {  	[tilespmem:$0x20] =	vst v0;
	v18 =	vnsel vm3, $0x0, v18;
	v21 =	vnsel vm3, $0x0, v21;
	v23 =	vnsel vm3, $0x0, v23  }
0x4f: {  	[tilespmem:$0x40] =	vst v4;
	v33 =	vsel vm2, $0x7A, v30;
	v5 =	vadd.s32 s1, v5;
	v60 =	vsel vm0, $0xB9, v58  }
0x50: {  	[tilespmem:$0x70] =	vst v7;
	v61 =	vsel vm1, $0xBC, v59;
	v63 =	vnsel vm4, s2, v3;
	v3 =	vnsel vm4, s2, v31  }
0x51: {  	[tilespmem:$0xA0] =	vst v10;
	v8 =	vnsel vm4, s2, v6;
	v6 =	vnsel vm4, s2, v34;
	v11 =	vnsel vm4, s2, v9  }
0x52: {  	v9 =	vnsel vm4, s2, v37;
	v14 =	vnsel vm4, s2, v12;
	v12 =	vnsel vm4, s2, v40;
	[tilespmem:$0x30] =	vst v63  }
0x53: {  	v42 =	vnsel vm4, s2, v15;
	v15 =	vnsel vm4, s2, v44;
	v46 =	vnsel vm4, s2, v18;
	[tilespmem:$0x50] =	vst v3  }
0x54: {  	v18 =	vnsel vm4, s2, v48;
	v24 =	vnsel vm4, s2, v21;
	v21 =	vnsel vm4, s2, v51;
	[tilespmem:$0x60] =	vst v8  }
0x55: {  	v23 =	vnsel vm4, s2, v23;
	v5 =	vnsel vm3, $0x0, v5;
	v37 =	vimm.s32 $0x8B;
	[tilespmem:$0x80] =	vst v6  }
0x56: {  	v40 =	vimm.s32 $0x97;
	v44 =	vimm.s32 $0xA7;
	v62 =	vsel vm0, $0xBD, v61;
	[tilespmem:$0x90] =	vst v11  }
0x57: {  	v63 =	vimm.s32 $0x7F;
	v3 =	vadd.s32 s1, v33;
	v5 =	vnsel vm4, s2, v5;
	[tilespmem:$0xB0] =	vst v9  }
0x58: {  	v6 =	vsel vm1, $0x84, v36;
	v7 =	vsel vm1, $0x88, v37;
	[tilespmem:$0xC0] =	vst v14;
	v8 =	vsel vm1, $0x8C, v38  }
0x59: {  	[tilespmem:$0xF0] =	vst v42;
	v9 =	vsel vm1, $0x90, v39;
	v10 =	vsel vm1, $0x94, v40;
	v11 =	vsel vm1, $0x98, v41  }
0x5a: {  	[tilespmem:$0x120] =	vst v46;
	v42 =	vimm.s32 $0x9F;
	v14 =	vsel vm1, $0xA4, v44;
	v46 =	vsel vm2, $0xA2, v13  }
0x5b: {  	[tilespmem:$0x100] =	vst v16;
	v31 =	vsel vm1, $0x7C, v63;
	v3 =	vnsel vm3, $0x0, v3;
	v6 =	vsel vm0, $0x85, v6  }
0x5c: {  	[tilespmem:$0x130] =	vst v19;
	v7 =	vsel vm0, $0x89, v7;
	v8 =	vsel vm0, $0x8D, v8;
	v9 =	vsel vm0, $0x91, v9  }
0x5d: {  	[tilespmem:$0xE0] =	vst v12;
	v10 =	vsel vm0, $0x95, v10;
	v11 =	vsel vm0, $0x99, v11;
	v12 =	vsel vm1, $0x9C, v42  }
0x5e: {  	v47 =	vsel vm0, $0xA5, v14;
	v49 =	vadd.s32 s1, v46;
	[tilespmem:$0x200] =	vst v5;
	v5 =	vsel vm1, $0xB0, v54  }
0x5f: {  	[tilespmem:$0x160] =	vst v22;
	v34 =	vsel vm0, $0x7D, v31;
	v3 =	vnsel vm4, s2, v3;
	v6 =	vsel vm2, $0x86, v6  }
0x60: {  	[tilespmem:$0x190] =	vst v25;
	v7 =	vsel vm2, $0x8A, v7;
	v8 =	vsel vm2, $0x8E, v8;
	v9 =	vsel vm2, $0x92, v9  }
0x61: {  	[tilespmem:$0x1A0] =	vst v26;
	v10 =	vsel vm2, $0x96, v10;
	v11 =	vsel vm2, $0x9A, v11;
	v12 =	vsel vm0, $0x9D, v12  }
0x62: {  	[tilespmem:$0x1D0] =	vst v2;
	v50 =	vsel vm2, $0xA6, v47;
	v1 =	vnsel vm3, $0x0, v49;
	v5 =	vsel vm0, $0xB1, v5  }
0x63: {  	[tilespmem:$0x110] =	vst v15;
	v4 =	vsel vm2, $0x7E, v34;
	v6 =	vadd.s32 s1, v6;
	v7 =	vadd.s32 s1, v7  }
0x64: {  	[tilespmem:$0x140] =	vst v18;
	v8 =	vadd.s32 s1, v8;
	v9 =	vadd.s32 s1, v9;
	v10 =	vadd.s32 s1, v10  }
0x65: {  	[tilespmem:$0x150] =	vst v24;
	v11 =	vadd.s32 s1, v11;
	v12 =	vsel vm2, $0x9E, v12;
	v51 =	vadd.s32 s1, v50  }
0x66: {  	[tilespmem:$0x1E0] =	vst v3;
	v1 =	vnsel vm4, s2, v1;
	v3 =	vsel vm1, $0xA8, v52;
	v5 =	vsel vm2, $0xB2, v5  }
0x67: {  	[tilespmem:$0x170] =	vst v21;
	v4 =	vadd.s32 s1, v4;
	v6 =	vnsel vm3, $0x0, v6;
	v7 =	vnsel vm3, $0x0, v7  }
0x68: {  	[tilespmem:$0x180] =	vst v23;
	v8 =	vnsel vm3, $0x0, v8;
	v9 =	vnsel vm3, $0x0, v9;
	v10 =	vnsel vm3, $0x0, v10  }
0x69: {  	v11 =	vnsel vm3, $0x0, v11;
	v45 =	vadd.s32 s1, v12;
	[tilespmem:$0x280] =	vst v1;
	v6 =	vnsel vm4, s2, v6  }
0x6a: {  	v2 =	vnsel vm3, $0x0, v51;
	v3 =	vsel vm0, $0xA9, v3;
	v7 =	vnsel vm4, s2, v7;
	[tilespmem:$0x210] =	vst v6  }
0x6b: {  	v5 =	vadd.s32 s1, v5;
	v1 =	vsel vm2, $0xBA, v60;
	v8 =	vnsel vm4, s2, v8;
	[tilespmem:$0x220] =	vst v7  }
0x6c: {  	v4 =	vnsel vm3, $0x0, v4;
	v9 =	vnsel vm4, s2, v9;
	v10 =	vnsel vm4, s2, v10;
	[tilespmem:$0x230] =	vst v8  }
0x6d: {  	v11 =	vnsel vm4, s2, v11;
	v48 =	vnsel vm3, $0x0, v45;
	v2 =	vnsel vm4, s2, v2;
	[tilespmem:$0x240] =	vst v9  }
0x6e: {  	v3 =	vsel vm2, $0xAA, v3;
	v5 =	vnsel vm3, $0x0, v5;
	v1 =	vadd.s32 s1, v1;
	[tilespmem:$0x250] =	vst v10  }
0x6f: {  	v4 =	vnsel vm4, s2, v4;
	v0 =	vnsel vm4, s2, v48;
	v3 =	vadd.s32 s1, v3;
	[tilespmem:$0x260] =	vst v11  }
0x70: {  	v5 =	vnsel vm4, s2, v5;
	v6 =	vsel vm1, $0xB4, v55;
	[tilespmem:$0x290] =	vst v2;
	v2 =	vsel vm2, $0xBE, v62  }
0x71: {  	v1 =	vnsel vm3, $0x0, v1;
	[tilespmem:$0x1F0] =	vst v4;
	v4 =	vsel vm1, $0xAC, v53;
	v3 =	vnsel vm3, $0x0, v3  }
0x72: {  	[tilespmem:$0x270] =	vst v0;
	v57 =	vsel vm0, $0xB5, v6;
	v2 =	vadd.s32 s1, v2;
	v1 =	vnsel vm4, s2, v1  }
0x73: {  	[tilespmem:$0x2C0] =	vst v5;
	v4 =	vsel vm0, $0xAD, v4;
	v3 =	vnsel vm4, s2, v3;
	v0 =	vsel vm2, $0xB6, v57  }
0x74: {  	v2 =	vnsel vm3, $0x0, v2;
	[tilespmem:$0x2E0] =	vst v1;
	v4 =	vsel vm2, $0xAE, v4;
	v0 =	vadd.s32 s1, v0  }
0x75: {  	[tilespmem:$0x2A0] =	vst v3;
	v63 =	vnsel vm4, s2, v2;
	v4 =	vadd.s32 s1, v4;
	v0 =	vnsel vm3, $0x0, v0  }
0x76: {  	s30 =	smul.u32 $0x60, s0;
	[tilespmem:$0x2F0] =	vst v63;
	v4 =	vnsel vm3, $0x0, v4;
	v0 =	vnsel vm4, s2, v0  }
0x77: {  	v4 =	vnsel vm4, s2, v4;
	[tilespmem:$0x2D0] =	vst v0  }
0x78: {  	s31 =	simm.s32 $0x1;
	s1 =	sadd.s32 s4, s30;
	[tilespmem:$0x2B0] =	vst v4  }
0x79: {  	[hbm4b:s1+s5] =	stream.linear.scatter [tilespmem:s5], [sflag:$0x1], $0x300, $0x38;
	[tilespmem:$0x300] =	vst v63  }
0x7a: {  	_ =	swait.ge [sflag:s31], $0x300  }
0x7b: {  	[sflag:s31] =	ssyncset.done $0x0  }
0x7c: {  	[sflag:s31] =	ssyncadd.s32 $0xFFFFFD00  }
0x7d: {  	_ =	sfence.sel $0x180000  }
0x7e: {  	[bflag:$0x0] =	sbarrier.arrive $0xFFFF  }
0x7f: {  	p0 =	sne.s32 s0, $0x0;
	_ =	strace $0x90000047  }
0x80: {  	s0 =	sadd.s32 @!p0 $0x100000, s3;
	[bflag:$0x2] =	sbarrier.arrive $0xFFFF  }
0x81: {  	[sflag:s0] =	ssyncadd.tile.s32 @!p0 $0x1;
	_ =	shalt  }
.Lfunc_end2:
_tile_overlayer_lowered:
.L_overlay_start_2:
0x82: {  	(tag) =	ssettag $0x2  }
0x83: {  	s0 =	rddreg [dreg:$0x0];
	s2 =	stileid.u32  }
0x84: {  	s1 =	rddreg [dreg:$0x1];
	p0 =	sne.s32 s2, $0x0  }
0x85: {  	s3 =	rddreg [dreg:$0x2];
	[bflag:$0x3] =	sbarrier.arrive $0xFFFF;
	s2 =	simm.s32 @!p0 $0x1C01  }
0x86: {  	[timem:s3], [sflag:s2] =	dma.local @!p0 [hbm:s0], s1  }
0x87: {  	s0 =	simm.s32 @!p0 $0x1  }
0x88: {  	_ =	swait.ge @!p0 [sflag:s0], s1  }
0x89: {  	s1 =	ssub.s32 @!p0 $0x0, s1;
	[sflag:s0] =	ssyncset.done @!p0 $0x0  }
0x8a: {  	[sflag:s0] =	ssyncadd.s32 @!p0 s1  }
0x8b: {  	[bflag:$0x3] =	sbarrier.arrive $0xFFFF  }
0x8c: {  	_ =	shalt  }

</sc_bundles>
